<compile_context>
chip_gen: v7x
topology: tpu7x:2x2x1
jax: 0.10.2.dev20260603
libtpu: 0.0.44.dev20260713+nightly
codegen_flags: <defaults>
</compile_context>

<pallas_src>
import functools

import jax
import jax.numpy as jnp
from jax.experimental import pallas as pl
from jax.experimental.pallas import tpu as pltpu
from jax.experimental.pallas import tpu_sc as plsc

_BETA = 0.05
_EPS = 1e-8
_M_TILE = 4096
_K_CHUNK = 2048
_LANES = 128


def _vq_tc_body(z_ref, e_ref, idx_ref, loss_ref, epad_ref, en_ref, *,
                n_steps, k_total, m_total, d):
    step = pl.program_id(0)

    @pl.when(step == 0)
    def _():
        e = e_ref[...]
        en_ref[...] = e / jnp.maximum(
            jnp.sqrt(jnp.sum(e * e, axis=1, keepdims=True)), _EPS)
        epad_ref[:, :d] = e
        epad_ref[:, d:] = jnp.zeros((k_total, _LANES - d), jnp.float32)

    z = z_ref[0]
    zn = z / jnp.maximum(jnp.sqrt(jnp.sum(z * z, axis=1, keepdims=True)), _EPS)

    m_tile = z.shape[0]
    run_val = jnp.full((m_tile, _LANES), -jnp.inf, jnp.float32)
    run_blk = jnp.zeros((m_tile, _LANES), jnp.int32)

    n_slices = _K_CHUNK // _LANES
    for c in range(k_total // _K_CHUNK):
        en = en_ref[pl.ds(c * _K_CHUNK, _K_CHUNK), :]
        sims = jax.lax.dot_general(
            zn, en, (((1,), (1,)), ((), ())),
            preferred_element_type=jnp.float32)
        vals = [sims[:, j * _LANES:(j + 1) * _LANES] for j in range(n_slices)]
        blks = [jnp.full((m_tile, _LANES), c * n_slices + j, jnp.int32)
                for j in range(n_slices)]
        while len(vals) > 1:
            nxt_v, nxt_b = [], []
            for a in range(0, len(vals), 2):
                va, ba, vb, bb = vals[a], blks[a], vals[a + 1], blks[a + 1]
                take_b = vb > va
                nxt_v.append(jnp.maximum(va, vb))
                nxt_b.append(jnp.where(take_b, bb, ba))
            vals, blks = nxt_v, nxt_b
        take_new = vals[0] > run_val
        run_blk = jnp.where(take_new, blks[0], run_blk)
        run_val = jnp.maximum(run_val, vals[0])

    lane = jax.lax.broadcasted_iota(jnp.int32, (m_tile, _LANES), 1)
    col = run_blk * _LANES + lane
    row_max = jnp.max(run_val, axis=1, keepdims=True)
    idx_ref[...] = jnp.min(
        jnp.where(run_val == row_max, col, k_total), axis=1, keepdims=True)

    @pl.when(step == 0)
    def _():
        loss_ref[...] = jnp.zeros((1, 1), jnp.float32)

    loss_ref[...] += jnp.sum(row_max, axis=(0, 1), keepdims=True)

    @pl.when(step == n_steps - 1)
    def _():
        s = loss_ref[...]
        loss_ref[...] = (1.0 + _BETA) * 2.0 * (m_total - s) / (m_total * d)


def _vq_argmax_loss(z, E):
    b, t, d = z.shape
    m_total = b * t
    k_total = E.shape[0]
    n_steps = m_total // _M_TILE
    body = functools.partial(
        _vq_tc_body, n_steps=n_steps, k_total=k_total, m_total=m_total, d=d
    )
    z3 = z.reshape(n_steps, _M_TILE, d)
    idx2, loss2, epad = pl.pallas_call(
        body,
        grid=(n_steps,),
        in_specs=[
            pl.BlockSpec((1, _M_TILE, d), lambda i: (i, 0, 0)),
            pl.BlockSpec((k_total, d), lambda i: (0, 0)),
        ],
        out_specs=[
            pl.BlockSpec((_M_TILE, 1), lambda i: (i, 0)),
            pl.BlockSpec((1, 1), lambda i: (0, 0)),
            pl.BlockSpec((k_total, _LANES), lambda i: (0, 0)),
        ],
        out_shape=[
            jax.ShapeDtypeStruct((m_total, 1), jnp.int32),
            jax.ShapeDtypeStruct((1, 1), jnp.float32),
            jax.ShapeDtypeStruct((k_total, _LANES), jnp.float32),
        ],
        scratch_shapes=[pltpu.VMEM((k_total, d), jnp.float32)],
        compiler_params=pltpu.CompilerParams(
            dimension_semantics=("arbitrary",),
        ),
    )(z3, E)
    return idx2.reshape(m_total), loss2.reshape(()), epad


def _sc_gather_rows(e_pad, idx, d):
    num_idx = idx.shape[0]
    dp = e_pad.shape[1]
    mesh = plsc.VectorSubcoreMesh(core_axis_name="c", subcore_axis_name="s")
    num_workers = 2 * 16
    per_w = num_idx // num_workers

    @functools.partial(
        pl.kernel,
        out_type=jax.ShapeDtypeStruct((num_idx, dp), e_pad.dtype),
        mesh=mesh,
        scratch_types=[
            pltpu.VMEM((per_w,), jnp.int32),
            pltpu.VMEM((per_w, dp), e_pad.dtype),
            pltpu.SemaphoreType.DMA,
        ],
    )
    def gather_kernel(e_hbm, i_hbm, o_hbm, idx_v, rows_v, sem):
        wid = jax.lax.axis_index("s") * 2 + jax.lax.axis_index("c")
        base = wid * per_w
        pltpu.sync_copy(i_hbm.at[pl.ds(base, per_w)], idx_v)
        pltpu.async_copy(e_hbm.at[idx_v], rows_v, sem).wait()
        pltpu.sync_copy(rows_v, o_hbm.at[pl.ds(base, per_w)])

    return gather_kernel(e_pad, idx)[:, :d]


def kernel(z, E):
    idx, loss, e_pad = _vq_argmax_loss(z, E)
    zq_st = _sc_gather_rows(e_pad, idx, E.shape[1])
    return (loss, zq_st, idx)

# --- scband reference (transcript-rebuilt; emitter-appended) ---
"""Pipeline reference for scband-vector-quantizer-69750268887140 (READ-ONLY COPY).

The authoritative reference and input builder live on the scoring server;
editing this copy changes nothing except your own understanding.
"""

import jax, jax.numpy as jnp
import numpy as np


def _normalize(x, eps=1e-08):
    n = jnp.linalg.norm(x, ord=2, axis=1, keepdims=True)
    return x / jnp.maximum(n, eps)


def setup_inputs(seed: int = 0) -> dict:
    key = jax.random.key(seed)
    k1, k2 = jax.random.split(key)
    z = jax.random.normal(k1, (8, 1024, 64), dtype=jnp.float32)
    E = jax.random.normal(k2, (8192, 64), dtype=jnp.float32)
    E = _normalize(E)
    return {"z": z, "E": E}


def reference(z, E):
    beta = 0.05
    z_flat = z.reshape(-1, z.shape[-1])
    z_n = _normalize(z_flat)
    E_n = _normalize(E)
    sims = z_n @ E_n.T
    idx = jnp.argmax(sims, axis=1)
    zq = jnp.take(E, idx, axis=0)
    zq_n = _normalize(zq)
    loss = jnp.mean((jax.lax.stop_gradient(zq_n) - z_n) ** 2) + beta * jnp.mean((zq_n - jax.lax.stop_gradient(z_n)) ** 2)
    zq_st = z_flat + jax.lax.stop_gradient(zq - z_flat)
    return (loss, zq_st, idx)

if __name__ == "__main__":
    import jax
    _d = setup_inputs()
    print(jax.jit(kernel)(*tuple(_d.values())))

</pallas_src>

<mosaic_0001>
#map = affine_map<(d0, d1) -> (0, 0)>
#map1 = affine_map<(d0, d1) -> (0)>
module attributes {stable_mosaic.version = 14 : i64} {
  func.func @gather_kernel(%arg0: i32, %arg1: i32, %arg2: memref<8192x128xf32, #tpu.memory_space<hbm>>, %arg3: memref<8192xi32, #tpu.memory_space<hbm>>, %arg4: memref<8192x128xf32, #tpu.memory_space<hbm>>, %arg5: memref<256xi32, #tpu.memory_space<vmem>>, %arg6: memref<256x128xf32, #tpu.memory_space<vmem>>, %arg7: memref<!tpu.dma_semaphore, #tpu.memory_space<semaphore_mem>>) attributes {dimension_semantics = [#tpu.dimension_semantics<core_parallel>, #tpu.dimension_semantics<subcore_parallel>], iteration_bounds = array<i64: 2, 16>, scalar_prefetch = 0 : i64, scratch_operands = 3 : i64, tpu.core_type = #tpu.core_type<sc_vector_subcore>, window_params = [{transform_indices = #map}, {transform_indices = #map1}, {transform_indices = #map}]} {
    %mul3A = arith.constant 2 : i32
    %mul3A_0 = arith.muli %arg1, %mul3A : i32
    %add3A = arith.addi %mul3A_0, %arg0 : i32
    %mul3A_1 = arith.constant 256 : i32
    %mul3A_2 = arith.muli %add3A, %mul3A_1 : i32
    "tpu.region"() ({
      %run_scoped3A = tpu.sem_alloc : memref<!tpu.dma_semaphore, #tpu.memory_space<semaphore_mem>>
      %dma_start3A_7 = tpu.memref_slice %arg3[%mul3A_2] : memref<8192xi32, #tpu.memory_space<hbm>> -> memref<256xi32, #tpu.memory_space<hbm>>
      %dma_start3A_8 = tpu.memref_slice %arg3[%mul3A_2] : memref<8192xi32, #tpu.memory_space<hbm>> -> memref<256xi32, #tpu.memory_space<hbm>>
      tpu.enqueue_dma source(%dma_start3A_8 : memref<256xi32, #tpu.memory_space<hbm>>) target(%arg5 : memref<256xi32, #tpu.memory_space<vmem>>) target_semaphore(%run_scoped3A : memref<!tpu.dma_semaphore, #tpu.memory_space<semaphore_mem>>)
      %dma_wait3A_9 = tpu.memref_slice %arg3[%mul3A_2] : memref<8192xi32, #tpu.memory_space<hbm>> -> memref<256xi32, #tpu.memory_space<hbm>>
      %dma_wait3A_10 = tpu.memref_slice %arg3[%mul3A_2] : memref<8192xi32, #tpu.memory_space<hbm>> -> memref<256xi32, #tpu.memory_space<hbm>>
      tpu.wait_dma2 semaphore(%run_scoped3A : memref<!tpu.dma_semaphore, #tpu.memory_space<semaphore_mem>>) src(%dma_wait3A_10 : memref<256xi32, #tpu.memory_space<hbm>>) dst(%arg5 : memref<256xi32, #tpu.memory_space<vmem>>)
      tpu.yield
    }) : () -> ()
    %dma_start3A = arith.constant 0 : i32
    %dma_start3A_3 = arith.constant 0 : i32
    %dma_start3A_4 = tpu.memref_slice %arg2[%dma_start3A, %dma_start3A_3] : memref<8192x128xf32, #tpu.memory_space<hbm>> -> memref<8192x128xf32, #tpu.memory_space<hbm>>
    tpu.enqueue_indirect_dma source(%dma_start3A_4 : memref<8192x128xf32, #tpu.memory_space<hbm>>) target(%arg6 : memref<256x128xf32, #tpu.memory_space<vmem>>) offsets(%arg5 : memref<256xi32, #tpu.memory_space<vmem>>) semaphore(%arg7 : memref<!tpu.dma_semaphore, #tpu.memory_space<semaphore_mem>>)
    %dma_wait3A = arith.constant 0 : i32
    %dma_wait3A_5 = arith.constant 0 : i32
    %dma_wait3A_6 = tpu.memref_slice %arg2[%dma_wait3A, %dma_wait3A_5] : memref<8192x128xf32, #tpu.memory_space<hbm>> -> memref<8192x128xf32, #tpu.memory_space<hbm>>
    tpu.wait_indirect_dma semaphore(%arg7 : memref<!tpu.dma_semaphore, #tpu.memory_space<semaphore_mem>>) src(%dma_wait3A_6 : memref<8192x128xf32, #tpu.memory_space<hbm>>) dst(%arg6 : memref<256x128xf32, #tpu.memory_space<vmem>>)
    "tpu.region"() ({
      %run_scoped3A = tpu.sem_alloc : memref<!tpu.dma_semaphore, #tpu.memory_space<semaphore_mem>>
      %dma_start3A_7 = arith.constant 0 : i32
      %dma_start3A_8 = tpu.memref_slice %arg4[%mul3A_2, %dma_start3A_7] : memref<8192x128xf32, #tpu.memory_space<hbm>> -> memref<256x128xf32, #tpu.memory_space<hbm>>
      %dma_start3A_9 = arith.constant 0 : i32
      %dma_start3A_10 = tpu.memref_slice %arg4[%mul3A_2, %dma_start3A_9] : memref<8192x128xf32, #tpu.memory_space<hbm>> -> memref<256x128xf32, #tpu.memory_space<hbm>>
      tpu.enqueue_dma source(%arg6 : memref<256x128xf32, #tpu.memory_space<vmem>>) target(%dma_start3A_10 : memref<256x128xf32, #tpu.memory_space<hbm>>) target_semaphore(%run_scoped3A : memref<!tpu.dma_semaphore, #tpu.memory_space<semaphore_mem>>)
      %dma_wait3A_11 = arith.constant 0 : i32
      %dma_wait3A_12 = tpu.memref_slice %arg4[%mul3A_2, %dma_wait3A_11] : memref<8192x128xf32, #tpu.memory_space<hbm>> -> memref<256x128xf32, #tpu.memory_space<hbm>>
      %dma_wait3A_13 = arith.constant 0 : i32
      %dma_wait3A_14 = tpu.memref_slice %arg4[%mul3A_2, %dma_wait3A_13] : memref<8192x128xf32, #tpu.memory_space<hbm>> -> memref<256x128xf32, #tpu.memory_space<hbm>>
      tpu.wait_dma2 semaphore(%run_scoped3A : memref<!tpu.dma_semaphore, #tpu.memory_space<semaphore_mem>>) src(%arg6 : memref<256x128xf32, #tpu.memory_space<vmem>>) dst(%dma_wait3A_14 : memref<256x128xf32, #tpu.memory_space<hbm>>)
      tpu.yield
    }) : () -> ()
    return
  }
}

module attributes {stable_mosaic.version = 14 : i64} {
  func.func @_vq_tc_body(%arg0: i32, %arg1: memref<1x4096x64xf32, #tpu.memory_space<vmem>>, %arg2: memref<8192x64xf32, #tpu.memory_space<vmem>>, %arg3: memref<4096x1xi32, #tpu.memory_space<vmem>>, %arg4: memref<1x1xf32, #tpu.memory_space<vmem>>, %arg5: memref<8192x128xf32, #tpu.memory_space<vmem>>, %arg6: memref<8192x64xf32, #tpu.memory_space<vmem>>) attributes {dimension_semantics = [#tpu.dimension_semantics<arbitrary>], iteration_bounds = array<i64: 2>, scalar_prefetch = 0 : i64, scratch_operands = 1 : i64, tpu.core_type = #tpu.core_type<tc>, window_params = [{transform_indices = @transform_0, window_bounds = array<i64: 1, 4096, 64>}, {pipeline_mode = #tpu.pipeline_mode<synchronous>, transform_indices = @transform_1, window_bounds = array<i64: 8192, 64>}, {transform_indices = @transform_2, window_bounds = array<i64: 4096, 1>}, {pipeline_mode = #tpu.pipeline_mode<synchronous>, transform_indices = @transform_3, window_bounds = array<i64: 1, 1>}, {pipeline_mode = #tpu.pipeline_mode<synchronous>, transform_indices = @transform_4, window_bounds = array<i64: 8192, 128>}]} {
    %eq3A = arith.constant 0 : i32
    %eq3A_0 = arith.cmpi eq, %arg0, %eq3A : i32
    %convert_element_type3A = arith.extui %eq3A_0 : i1 to i32
    %cond3A = arith.constant 0 : i32
    %cond3A_1 = arith.cmpi ne, %convert_element_type3A, %cond3A : i32
    scf.if %cond3A_1 {
      %get3A_450 = arith.constant 0 : index
      %get3A_451 = arith.constant 0 : index
      %get3A_452 = vector.load %arg2[%get3A_450, %get3A_451] : memref<8192x64xf32, #tpu.memory_space<vmem>>, vector<8192x64xf32>
      %mul3A_453 = arith.mulf %get3A_452, %get3A_452 : vector<8192x64xf32>
      %reduce_sum3A_454 = arith.constant dense<0.000000e+00> : vector<8192xf32>
      %reduce_sum3A_455 = vector.multi_reduction <add>, %mul3A_453, %reduce_sum3A_454 [1] : vector<8192x64xf32> to vector<8192xf32>
      %broadcast_in_dim3A_456 = vector.shape_cast %reduce_sum3A_455 : vector<8192xf32> to vector<8192x1xf32>
      %sqrt3A_457 = math.sqrt %broadcast_in_dim3A_456 : vector<8192x1xf32>
      %max3A_458 = arith.constant 9.99999993E-9 : f32
      %max3A_459 = vector.broadcast %max3A_458 : f32 to vector<8192x1xf32>
      %max3A_460 = arith.maximumf %sqrt3A_457, %max3A_459 : vector<8192x1xf32>
      %div3A_461 = vector.broadcast %max3A_460 : vector<8192x1xf32> to vector<8192x64xf32>
      %div3A_462 = arith.divf %get3A_452, %div3A_461 : vector<8192x64xf32>
      %swap3A_463 = arith.constant 0 : index
      %swap3A_464 = arith.constant 0 : index
      %swap3A_465 = vector.load %arg6[%swap3A_463, %swap3A_464] : memref<8192x64xf32, #tpu.memory_space<vmem>>, vector<8192x64xf32>
      tpu.vector_store %arg6[%swap3A_463, %swap3A_464], %div3A_462 {strides = array<i32>} : memref<8192x64xf32, #tpu.memory_space<vmem>>, vector<8192x64xf32>,
      %swap3A_466 = arith.constant 0 : index
      %swap3A_467 = arith.constant 0 : index
      %swap3A_468 = vector.load %arg5[%swap3A_466, %swap3A_467] : memref<8192x128xf32, #tpu.memory_space<vmem>>, vector<8192x64xf32>
      tpu.vector_store %arg5[%swap3A_466, %swap3A_467], %get3A_452 {strides = array<i32>} : memref<8192x128xf32, #tpu.memory_space<vmem>>, vector<8192x64xf32>,
      %broadcast_in_dim3A_469 = arith.constant 0.000000e+00 : f32
      %broadcast_in_dim3A_470 = vector.broadcast %broadcast_in_dim3A_469 : f32 to vector<8192x64xf32>
      %swap3A_471 = arith.constant 0 : index
      %swap3A_472 = arith.constant 64 : index
      %swap3A_473 = vector.load %arg5[%swap3A_471, %swap3A_472] : memref<8192x128xf32, #tpu.memory_space<vmem>>, vector<8192x64xf32>
      tpu.vector_store %arg5[%swap3A_471, %swap3A_472], %broadcast_in_dim3A_470 {strides = array<i32>} : memref<8192x128xf32, #tpu.memory_space<vmem>>, vector<8192x64xf32>,
    } else {
    }
    %get3A = arith.constant 0 : index
    %get3A_2 = arith.constant 0 : index
    %get3A_3 = arith.constant 0 : index
    %get3A_4 = vector.load %arg1[%get3A, %get3A_2, %get3A_3] : memref<1x4096x64xf32, #tpu.memory_space<vmem>>, vector<1x4096x64xf32>
    %get3A_5 = vector.shape_cast %get3A_4 : vector<1x4096x64xf32> to vector<4096x64xf32>
    %mul3A = arith.mulf %get3A_5, %get3A_5 : vector<4096x64xf32>
    %reduce_sum3A = arith.constant dense<0.000000e+00> : vector<4096xf32>
    %reduce_sum3A_6 = vector.multi_reduction <add>, %mul3A, %reduce_sum3A [1] : vector<4096x64xf32> to vector<4096xf32>
    %broadcast_in_dim3A = vector.shape_cast %reduce_sum3A_6 : vector<4096xf32> to vector<4096x1xf32>
    %sqrt3A = math.sqrt %broadcast_in_dim3A : vector<4096x1xf32>
    %max3A = arith.constant 9.99999993E-9 : f32
    %max3A_7 = vector.broadcast %max3A : f32 to vector<4096x1xf32>
    %max3A_8 = arith.maximumf %sqrt3A, %max3A_7 : vector<4096x1xf32>
    %div3A = vector.broadcast %max3A_8 : vector<4096x1xf32> to vector<4096x64xf32>
    %div3A_9 = arith.divf %get3A_5, %div3A : vector<4096x64xf32>
    %broadcast_in_dim3A_10 = arith.constant 0xFF800000 : f32
    %broadcast_in_dim3A_11 = vector.broadcast %broadcast_in_dim3A_10 : f32 to vector<4096x128xf32>
    %broadcast_in_dim3A_12 = arith.constant 0 : i32
    %broadcast_in_dim3A_13 = vector.broadcast %broadcast_in_dim3A_12 : i32 to vector<4096x128xi32>
    %get3A_14 = arith.constant 0 : index
    %get3A_15 = arith.constant 0 : index
    %get3A_16 = vector.load %arg6[%get3A_14, %get3A_15] : memref<8192x64xf32, #tpu.memory_space<vmem>>, vector<2048x64xf32>
    %dot_general3A = arith.constant dense<0.000000e+00> : vector<4096x2048xf32>
    %dot_general3A_17 = tpu.matmul %div3A_9, %get3A_16, %dot_general3A {dimension_numbers = #tpu.dot_dimension_numbers<[1], [1], [0], [0], [0, 0, 1, 0], [], []>, transpose_lhs_hint = false} : vector<4096x64xf32>, vector<2048x64xf32>, vector<4096x2048xf32> -> vector<4096x2048xf32>
    %slice3A = vector.extract_strided_slice %dot_general3A_17 {offsets = [0, 0], sizes = [4096, 128], strides = [1, 1]} : vector<4096x2048xf32> to vector<4096x128xf32>
    %slice3A_18 = vector.extract_strided_slice %dot_general3A_17 {offsets = [0, 128], sizes = [4096, 128], strides = [1, 1]} : vector<4096x2048xf32> to vector<4096x128xf32>
    %slice3A_19 = vector.extract_strided_slice %dot_general3A_17 {offsets = [0, 256], sizes = [4096, 128], strides = [1, 1]} : vector<4096x2048xf32> to vector<4096x128xf32>
    %slice3A_20 = vector.extract_strided_slice %dot_general3A_17 {offsets = [0, 384], sizes = [4096, 128], strides = [1, 1]} : vector<4096x2048xf32> to vector<4096x128xf32>
    %slice3A_21 = vector.extract_strided_slice %dot_general3A_17 {offsets = [0, 512], sizes = [4096, 128], strides = [1, 1]} : vector<4096x2048xf32> to vector<4096x128xf32>
    %slice3A_22 = vector.extract_strided_slice %dot_general3A_17 {offsets = [0, 640], sizes = [4096, 128], strides = [1, 1]} : vector<4096x2048xf32> to vector<4096x128xf32>
    %slice3A_23 = vector.extract_strided_slice %dot_general3A_17 {offsets = [0, 768], sizes = [4096, 128], strides = [1, 1]} : vector<4096x2048xf32> to vector<4096x128xf32>
    %slice3A_24 = vector.extract_strided_slice %dot_general3A_17 {offsets = [0, 896], sizes = [4096, 128], strides = [1, 1]} : vector<4096x2048xf32> to vector<4096x128xf32>
    %slice3A_25 = vector.extract_strided_slice %dot_general3A_17 {offsets = [0, 1024], sizes = [4096, 128], strides = [1, 1]} : vector<4096x2048xf32> to vector<4096x128xf32>
    %slice3A_26 = vector.extract_strided_slice %dot_general3A_17 {offsets = [0, 1152], sizes = [4096, 128], strides = [1, 1]} : vector<4096x2048xf32> to vector<4096x128xf32>
    %slice3A_27 = vector.extract_strided_slice %dot_general3A_17 {offsets = [0, 1280], sizes = [4096, 128], strides = [1, 1]} : vector<4096x2048xf32> to vector<4096x128xf32>
    %slice3A_28 = vector.extract_strided_slice %dot_general3A_17 {offsets = [0, 1408], sizes = [4096, 128], strides = [1, 1]} : vector<4096x2048xf32> to vector<4096x128xf32>
    %slice3A_29 = vector.extract_strided_slice %dot_general3A_17 {offsets = [0, 1536], sizes = [4096, 128], strides = [1, 1]} : vector<4096x2048xf32> to vector<4096x128xf32>
    %slice3A_30 = vector.extract_strided_slice %dot_general3A_17 {offsets = [0, 1664], sizes = [4096, 128], strides = [1, 1]} : vector<4096x2048xf32> to vector<4096x128xf32>
    %slice3A_31 = vector.extract_strided_slice %dot_general3A_17 {offsets = [0, 1792], sizes = [4096, 128], strides = [1, 1]} : vector<4096x2048xf32> to vector<4096x128xf32>
    %slice3A_32 = vector.extract_strided_slice %dot_general3A_17 {offsets = [0, 1920], sizes = [4096, 128], strides = [1, 1]} : vector<4096x2048xf32> to vector<4096x128xf32>
    %broadcast_in_dim3A_33 = arith.constant 0 : i32
    %broadcast_in_dim3A_34 = vector.broadcast %broadcast_in_dim3A_33 : i32 to vector<4096x128xi32>
    %broadcast_in_dim3A_35 = arith.constant 1 : i32
    %broadcast_in_dim3A_36 = vector.broadcast %broadcast_in_dim3A_35 : i32 to vector<4096x128xi32>
    %broadcast_in_dim3A_37 = arith.constant 2 : i32
    %broadcast_in_dim3A_38 = vector.broadcast %broadcast_in_dim3A_37 : i32 to vector<4096x128xi32>
    %broadcast_in_dim3A_39 = arith.constant 3 : i32
    %broadcast_in_dim3A_40 = vector.broadcast %broadcast_in_dim3A_39 : i32 to vector<4096x128xi32>
    %broadcast_in_dim3A_41 = arith.constant 4 : i32
    %broadcast_in_dim3A_42 = vector.broadcast %broadcast_in_dim3A_41 : i32 to vector<4096x128xi32>
    %broadcast_in_dim3A_43 = arith.constant 5 : i32
    %broadcast_in_dim3A_44 = vector.broadcast %broadcast_in_dim3A_43 : i32 to vector<4096x128xi32>
    %broadcast_in_dim3A_45 = arith.constant 6 : i32
    %broadcast_in_dim3A_46 = vector.broadcast %broadcast_in_dim3A_45 : i32 to vector<4096x128xi32>
    %broadcast_in_dim3A_47 = arith.constant 7 : i32
    %broadcast_in_dim3A_48 = vector.broadcast %broadcast_in_dim3A_47 : i32 to vector<4096x128xi32>
    %broadcast_in_dim3A_49 = arith.constant 8 : i32
    %broadcast_in_dim3A_50 = vector.broadcast %broadcast_in_dim3A_49 : i32 to vector<4096x128xi32>
    %broadcast_in_dim3A_51 = arith.constant 9 : i32
    %broadcast_in_dim3A_52 = vector.broadcast %broadcast_in_dim3A_51 : i32 to vector<4096x128xi32>
    %broadcast_in_dim3A_53 = arith.constant 10 : i32
    %broadcast_in_dim3A_54 = vector.broadcast %broadcast_in_dim3A_53 : i32 to vector<4096x128xi32>
    %broadcast_in_dim3A_55 = arith.constant 11 : i32
    %broadcast_in_dim3A_56 = vector.broadcast %broadcast_in_dim3A_55 : i32 to vector<4096x128xi32>
    %broadcast_in_dim3A_57 = arith.constant 12 : i32
    %broadcast_in_dim3A_58 = vector.broadcast %broadcast_in_dim3A_57 : i32 to vector<4096x128xi32>
    %broadcast_in_dim3A_59 = arith.constant 13 : i32
    %broadcast_in_dim3A_60 = vector.broadcast %broadcast_in_dim3A_59 : i32 to vector<4096x128xi32>
    %broadcast_in_dim3A_61 = arith.constant 14 : i32
    %broadcast_in_dim3A_62 = vector.broadcast %broadcast_in_dim3A_61 : i32 to vector<4096x128xi32>
    %broadcast_in_dim3A_63 = arith.constant 15 : i32
    %broadcast_in_dim3A_64 = vector.broadcast %broadcast_in_dim3A_63 : i32 to vector<4096x128xi32>
    %gt3A = arith.cmpf ogt, %slice3A_18, %slice3A : vector<4096x128xf32>
    %max3A_65 = arith.maximumf %slice3A, %slice3A_18 : vector<4096x128xf32>
    %select_n3A = arith.select %gt3A, %broadcast_in_dim3A_36, %broadcast_in_dim3A_34 : vector<4096x128xi1>, vector<4096x128xi32>
    %gt3A_66 = arith.cmpf ogt, %slice3A_20, %slice3A_19 : vector<4096x128xf32>
    %max3A_67 = arith.maximumf %slice3A_19, %slice3A_20 : vector<4096x128xf32>
    %select_n3A_68 = arith.select %gt3A_66, %broadcast_in_dim3A_40, %broadcast_in_dim3A_38 : vector<4096x128xi1>, vector<4096x128xi32>
    %gt3A_69 = arith.cmpf ogt, %slice3A_22, %slice3A_21 : vector<4096x128xf32>
    %max3A_70 = arith.maximumf %slice3A_21, %slice3A_22 : vector<4096x128xf32>
    %select_n3A_71 = arith.select %gt3A_69, %broadcast_in_dim3A_44, %broadcast_in_dim3A_42 : vector<4096x128xi1>, vector<4096x128xi32>
    %gt3A_72 = arith.cmpf ogt, %slice3A_24, %slice3A_23 : vector<4096x128xf32>
    %max3A_73 = arith.maximumf %slice3A_23, %slice3A_24 : vector<4096x128xf32>
    %select_n3A_74 = arith.select %gt3A_72, %broadcast_in_dim3A_48, %broadcast_in_dim3A_46 : vector<4096x128xi1>, vector<4096x128xi32>
    %gt3A_75 = arith.cmpf ogt, %slice3A_26, %slice3A_25 : vector<4096x128xf32>
    %max3A_76 = arith.maximumf %slice3A_25, %slice3A_26 : vector<4096x128xf32>
    %select_n3A_77 = arith.select %gt3A_75, %broadcast_in_dim3A_52, %broadcast_in_dim3A_50 : vector<4096x128xi1>, vector<4096x128xi32>
    %gt3A_78 = arith.cmpf ogt, %slice3A_28, %slice3A_27 : vector<4096x128xf32>
    %max3A_79 = arith.maximumf %slice3A_27, %slice3A_28 : vector<4096x128xf32>
    %select_n3A_80 = arith.select %gt3A_78, %broadcast_in_dim3A_56, %broadcast_in_dim3A_54 : vector<4096x128xi1>, vector<4096x128xi32>
    %gt3A_81 = arith.cmpf ogt, %slice3A_30, %slice3A_29 : vector<4096x128xf32>
    %max3A_82 = arith.maximumf %slice3A_29, %slice3A_30 : vector<4096x128xf32>
    %select_n3A_83 = arith.select %gt3A_81, %broadcast_in_dim3A_60, %broadcast_in_dim3A_58 : vector<4096x128xi1>, vector<4096x128xi32>
    %gt3A_84 = arith.cmpf ogt, %slice3A_32, %slice3A_31 : vector<4096x128xf32>
    %max3A_85 = arith.maximumf %slice3A_31, %slice3A_32 : vector<4096x128xf32>
    %select_n3A_86 = arith.select %gt3A_84, %broadcast_in_dim3A_64, %broadcast_in_dim3A_62 : vector<4096x128xi1>, vector<4096x128xi32>
    %gt3A_87 = arith.cmpf ogt, %max3A_67, %max3A_65 : vector<4096x128xf32>
    %max3A_88 = arith.maximumf %max3A_65, %max3A_67 : vector<4096x128xf32>
    %select_n3A_89 = arith.select %gt3A_87, %select_n3A_68, %select_n3A : vector<4096x128xi1>, vector<4096x128xi32>
    %gt3A_90 = arith.cmpf ogt, %max3A_73, %max3A_70 : vector<4096x128xf32>
    %max3A_91 = arith.maximumf %max3A_70, %max3A_73 : vector<4096x128xf32>
    %select_n3A_92 = arith.select %gt3A_90, %select_n3A_74, %select_n3A_71 : vector<4096x128xi1>, vector<4096x128xi32>
    %gt3A_93 = arith.cmpf ogt, %max3A_79, %max3A_76 : vector<4096x128xf32>
    %max3A_94 = arith.maximumf %max3A_76, %max3A_79 : vector<4096x128xf32>
    %select_n3A_95 = arith.select %gt3A_93, %select_n3A_80, %select_n3A_77 : vector<4096x128xi1>, vector<4096x128xi32>
    %gt3A_96 = arith.cmpf ogt, %max3A_85, %max3A_82 : vector<4096x128xf32>
    %max3A_97 = arith.maximumf %max3A_82, %max3A_85 : vector<4096x128xf32>
    %select_n3A_98 = arith.select %gt3A_96, %select_n3A_86, %select_n3A_83 : vector<4096x128xi1>, vector<4096x128xi32>
    %gt3A_99 = arith.cmpf ogt, %max3A_91, %max3A_88 : vector<4096x128xf32>
    %max3A_100 = arith.maximumf %max3A_88, %max3A_91 : vector<4096x128xf32>
    %select_n3A_101 = arith.select %gt3A_99, %select_n3A_92, %select_n3A_89 : vector<4096x128xi1>, vector<4096x128xi32>
    %gt3A_102 = arith.cmpf ogt, %max3A_97, %max3A_94 : vector<4096x128xf32>
    %max3A_103 = arith.maximumf %max3A_94, %max3A_97 : vector<4096x128xf32>
    %select_n3A_104 = arith.select %gt3A_102, %select_n3A_98, %select_n3A_95 : vector<4096x128xi1>, vector<4096x128xi32>
    %gt3A_105 = arith.cmpf ogt, %max3A_103, %max3A_100 : vector<4096x128xf32>
    %max3A_106 = arith.maximumf %max3A_100, %max3A_103 : vector<4096x128xf32>
    %select_n3A_107 = arith.select %gt3A_105, %select_n3A_104, %select_n3A_101 : vector<4096x128xi1>, vector<4096x128xi32>
    %gt3A_108 = arith.cmpf ogt, %max3A_106, %broadcast_in_dim3A_11 : vector<4096x128xf32>
    %select_n3A_109 = arith.select %gt3A_108, %select_n3A_107, %broadcast_in_dim3A_13 : vector<4096x128xi1>, vector<4096x128xi32>
    %max3A_110 = arith.maximumf %broadcast_in_dim3A_11, %max3A_106 : vector<4096x128xf32>
    %get3A_111 = arith.constant 2048 : index
    %get3A_112 = arith.constant 0 : index
    %get3A_113 = vector.load %arg6[%get3A_111, %get3A_112] : memref<8192x64xf32, #tpu.memory_space<vmem>>, vector<2048x64xf32>
    %dot_general3A_114 = arith.constant dense<0.000000e+00> : vector<4096x2048xf32>
    %dot_general3A_115 = tpu.matmul %div3A_9, %get3A_113, %dot_general3A_114 {dimension_numbers = #tpu.dot_dimension_numbers<[1], [1], [0], [0], [0, 0, 1, 0], [], []>, transpose_lhs_hint = false} : vector<4096x64xf32>, vector<2048x64xf32>, vector<4096x2048xf32> -> vector<4096x2048xf32>
    %slice3A_116 = vector.extract_strided_slice %dot_general3A_115 {offsets = [0, 0], sizes = [4096, 128], strides = [1, 1]} : vector<4096x2048xf32> to vector<4096x128xf32>
    %slice3A_117 = vector.extract_strided_slice %dot_general3A_115 {offsets = [0, 128], sizes = [4096, 128], strides = [1, 1]} : vector<4096x2048xf32> to vector<4096x128xf32>
    %slice3A_118 = vector.extract_strided_slice %dot_general3A_115 {offsets = [0, 256], sizes = [4096, 128], strides = [1, 1]} : vector<4096x2048xf32> to vector<4096x128xf32>
    %slice3A_119 = vector.extract_strided_slice %dot_general3A_115 {offsets = [0, 384], sizes = [4096, 128], strides = [1, 1]} : vector<4096x2048xf32> to vector<4096x128xf32>
    %slice3A_120 = vector.extract_strided_slice %dot_general3A_115 {offsets = [0, 512], sizes = [4096, 128], strides = [1, 1]} : vector<4096x2048xf32> to vector<4096x128xf32>
    %slice3A_121 = vector.extract_strided_slice %dot_general3A_115 {offsets = [0, 640], sizes = [4096, 128], strides = [1, 1]} : vector<4096x2048xf32> to vector<4096x128xf32>
    %slice3A_122 = vector.extract_strided_slice %dot_general3A_115 {offsets = [0, 768], sizes = [4096, 128], strides = [1, 1]} : vector<4096x2048xf32> to vector<4096x128xf32>
    %slice3A_123 = vector.extract_strided_slice %dot_general3A_115 {offsets = [0, 896], sizes = [4096, 128], strides = [1, 1]} : vector<4096x2048xf32> to vector<4096x128xf32>
    %slice3A_124 = vector.extract_strided_slice %dot_general3A_115 {offsets = [0, 1024], sizes = [4096, 128], strides = [1, 1]} : vector<4096x2048xf32> to vector<4096x128xf32>
    %slice3A_125 = vector.extract_strided_slice %dot_general3A_115 {offsets = [0, 1152], sizes = [4096, 128], strides = [1, 1]} : vector<4096x2048xf32> to vector<4096x128xf32>
    %slice3A_126 = vector.extract_strided_slice %dot_general3A_115 {offsets = [0, 1280], sizes = [4096, 128], strides = [1, 1]} : vector<4096x2048xf32> to vector<4096x128xf32>
    %slice3A_127 = vector.extract_strided_slice %dot_general3A_115 {offsets = [0, 1408], sizes = [4096, 128], strides = [1, 1]} : vector<4096x2048xf32> to vector<4096x128xf32>
    %slice3A_128 = vector.extract_strided_slice %dot_general3A_115 {offsets = [0, 1536], sizes = [4096, 128], strides = [1, 1]} : vector<4096x2048xf32> to vector<4096x128xf32>
    %slice3A_129 = vector.extract_strided_slice %dot_general3A_115 {offsets = [0, 1664], sizes = [4096, 128], strides = [1, 1]} : vector<4096x2048xf32> to vector<4096x128xf32>
    %slice3A_130 = vector.extract_strided_slice %dot_general3A_115 {offsets = [0, 1792], sizes = [4096, 128], strides = [1, 1]} : vector<4096x2048xf32> to vector<4096x128xf32>
    %slice3A_131 = vector.extract_strided_slice %dot_general3A_115 {offsets = [0, 1920], sizes = [4096, 128], strides = [1, 1]} : vector<4096x2048xf32> to vector<4096x128xf32>
    %broadcast_in_dim3A_132 = arith.constant 16 : i32
    %broadcast_in_dim3A_133 = vector.broadcast %broadcast_in_dim3A_132 : i32 to vector<4096x128xi32>
    %broadcast_in_dim3A_134 = arith.constant 17 : i32
    %broadcast_in_dim3A_135 = vector.broadcast %broadcast_in_dim3A_134 : i32 to vector<4096x128xi32>
    %broadcast_in_dim3A_136 = arith.constant 18 : i32
    %broadcast_in_dim3A_137 = vector.broadcast %broadcast_in_dim3A_136 : i32 to vector<4096x128xi32>
    %broadcast_in_dim3A_138 = arith.constant 19 : i32
    %broadcast_in_dim3A_139 = vector.broadcast %broadcast_in_dim3A_138 : i32 to vector<4096x128xi32>
    %broadcast_in_dim3A_140 = arith.constant 20 : i32
    %broadcast_in_dim3A_141 = vector.broadcast %broadcast_in_dim3A_140 : i32 to vector<4096x128xi32>
    %broadcast_in_dim3A_142 = arith.constant 21 : i32
    %broadcast_in_dim3A_143 = vector.broadcast %broadcast_in_dim3A_142 : i32 to vector<4096x128xi32>
    %broadcast_in_dim3A_144 = arith.constant 22 : i32
    %broadcast_in_dim3A_145 = vector.broadcast %broadcast_in_dim3A_144 : i32 to vector<4096x128xi32>
    %broadcast_in_dim3A_146 = arith.constant 23 : i32
    %broadcast_in_dim3A_147 = vector.broadcast %broadcast_in_dim3A_146 : i32 to vector<4096x128xi32>
    %broadcast_in_dim3A_148 = arith.constant 24 : i32
    %broadcast_in_dim3A_149 = vector.broadcast %broadcast_in_dim3A_148 : i32 to vector<4096x128xi32>
    %broadcast_in_dim3A_150 = arith.constant 25 : i32
    %broadcast_in_dim3A_151 = vector.broadcast %broadcast_in_dim3A_150 : i32 to vector<4096x128xi32>
    %broadcast_in_dim3A_152 = arith.constant 26 : i32
    %broadcast_in_dim3A_153 = vector.broadcast %broadcast_in_dim3A_152 : i32 to vector<4096x128xi32>
    %broadcast_in_dim3A_154 = arith.constant 27 : i32
    %broadcast_in_dim3A_155 = vector.broadcast %broadcast_in_dim3A_154 : i32 to vector<4096x128xi32>
    %broadcast_in_dim3A_156 = arith.constant 28 : i32
    %broadcast_in_dim3A_157 = vector.broadcast %broadcast_in_dim3A_156 : i32 to vector<4096x128xi32>
    %broadcast_in_dim3A_158 = arith.constant 29 : i32
    %broadcast_in_dim3A_159 = vector.broadcast %broadcast_in_dim3A_158 : i32 to vector<4096x128xi32>
    %broadcast_in_dim3A_160 = arith.constant 30 : i32
    %broadcast_in_dim3A_161 = vector.broadcast %broadcast_in_dim3A_160 : i32 to vector<4096x128xi32>
    %broadcast_in_dim3A_162 = arith.constant 31 : i32
    %broadcast_in_dim3A_163 = vector.broadcast %broadcast_in_dim3A_162 : i32 to vector<4096x128xi32>
    %gt3A_164 = arith.cmpf ogt, %slice3A_117, %slice3A_116 : vector<4096x128xf32>
    %max3A_165 = arith.maximumf %slice3A_116, %slice3A_117 : vector<4096x128xf32>
    %select_n3A_166 = arith.select %gt3A_164, %broadcast_in_dim3A_135, %broadcast_in_dim3A_133 : vector<4096x128xi1>, vector<4096x128xi32>
    %gt3A_167 = arith.cmpf ogt, %slice3A_119, %slice3A_118 : vector<4096x128xf32>
    %max3A_168 = arith.maximumf %slice3A_118, %slice3A_119 : vector<4096x128xf32>
    %select_n3A_169 = arith.select %gt3A_167, %broadcast_in_dim3A_139, %broadcast_in_dim3A_137 : vector<4096x128xi1>, vector<4096x128xi32>
    %gt3A_170 = arith.cmpf ogt, %slice3A_121, %slice3A_120 : vector<4096x128xf32>
    %max3A_171 = arith.maximumf %slice3A_120, %slice3A_121 : vector<4096x128xf32>
    %select_n3A_172 = arith.select %gt3A_170, %broadcast_in_dim3A_143, %broadcast_in_dim3A_141 : vector<4096x128xi1>, vector<4096x128xi32>
    %gt3A_173 = arith.cmpf ogt, %slice3A_123, %slice3A_122 : vector<4096x128xf32>
    %max3A_174 = arith.maximumf %slice3A_122, %slice3A_123 : vector<4096x128xf32>
    %select_n3A_175 = arith.select %gt3A_173, %broadcast_in_dim3A_147, %broadcast_in_dim3A_145 : vector<4096x128xi1>, vector<4096x128xi32>
    %gt3A_176 = arith.cmpf ogt, %slice3A_125, %slice3A_124 : vector<4096x128xf32>
    %max3A_177 = arith.maximumf %slice3A_124, %slice3A_125 : vector<4096x128xf32>
    %select_n3A_178 = arith.select %gt3A_176, %broadcast_in_dim3A_151, %broadcast_in_dim3A_149 : vector<4096x128xi1>, vector<4096x128xi32>
    %gt3A_179 = arith.cmpf ogt, %slice3A_127, %slice3A_126 : vector<4096x128xf32>
    %max3A_180 = arith.maximumf %slice3A_126, %slice3A_127 : vector<4096x128xf32>
    %select_n3A_181 = arith.select %gt3A_179, %broadcast_in_dim3A_155, %broadcast_in_dim3A_153 : vector<4096x128xi1>, vector<4096x128xi32>
    %gt3A_182 = arith.cmpf ogt, %slice3A_129, %slice3A_128 : vector<4096x128xf32>
    %max3A_183 = arith.maximumf %slice3A_128, %slice3A_129 : vector<4096x128xf32>
    %select_n3A_184 = arith.select %gt3A_182, %broadcast_in_dim3A_159, %broadcast_in_dim3A_157 : vector<4096x128xi1>, vector<4096x128xi32>
    %gt3A_185 = arith.cmpf ogt, %slice3A_131, %slice3A_130 : vector<4096x128xf32>
    %max3A_186 = arith.maximumf %slice3A_130, %slice3A_131 : vector<4096x128xf32>
    %select_n3A_187 = arith.select %gt3A_185, %broadcast_in_dim3A_163, %broadcast_in_dim3A_161 : vector<4096x128xi1>, vector<4096x128xi32>
    %gt3A_188 = arith.cmpf ogt, %max3A_168, %max3A_165 : vector<4096x128xf32>
    %max3A_189 = arith.maximumf %max3A_165, %max3A_168 : vector<4096x128xf32>
    %select_n3A_190 = arith.select %gt3A_188, %select_n3A_169, %select_n3A_166 : vector<4096x128xi1>, vector<4096x128xi32>
    %gt3A_191 = arith.cmpf ogt, %max3A_174, %max3A_171 : vector<4096x128xf32>
    %max3A_192 = arith.maximumf %max3A_171, %max3A_174 : vector<4096x128xf32>
    %select_n3A_193 = arith.select %gt3A_191, %select_n3A_175, %select_n3A_172 : vector<4096x128xi1>, vector<4096x128xi32>
    %gt3A_194 = arith.cmpf ogt, %max3A_180, %max3A_177 : vector<4096x128xf32>
    %max3A_195 = arith.maximumf %max3A_177, %max3A_180 : vector<4096x128xf32>
    %select_n3A_196 = arith.select %gt3A_194, %select_n3A_181, %select_n3A_178 : vector<4096x128xi1>, vector<4096x128xi32>
    %gt3A_197 = arith.cmpf ogt, %max3A_186, %max3A_183 : vector<4096x128xf32>
    %max3A_198 = arith.maximumf %max3A_183, %max3A_186 : vector<4096x128xf32>
    %select_n3A_199 = arith.select %gt3A_197, %select_n3A_187, %select_n3A_184 : vector<4096x128xi1>, vector<4096x128xi32>
    %gt3A_200 = arith.cmpf ogt, %max3A_192, %max3A_189 : vector<4096x128xf32>
    %max3A_201 = arith.maximumf %max3A_189, %max3A_192 : vector<4096x128xf32>
    %select_n3A_202 = arith.select %gt3A_200, %select_n3A_193, %select_n3A_190 : vector<4096x128xi1>, vector<4096x128xi32>
    %gt3A_203 = arith.cmpf ogt, %max3A_198, %max3A_195 : vector<4096x128xf32>
    %max3A_204 = arith.maximumf %max3A_195, %max3A_198 : vector<4096x128xf32>
    %select_n3A_205 = arith.select %gt3A_203, %select_n3A_199, %select_n3A_196 : vector<4096x128xi1>, vector<4096x128xi32>
    %gt3A_206 = arith.cmpf ogt, %max3A_204, %max3A_201 : vector<4096x128xf32>
    %max3A_207 = arith.maximumf %max3A_201, %max3A_204 : vector<4096x128xf32>
    %select_n3A_208 = arith.select %gt3A_206, %select_n3A_205, %select_n3A_202 : vector<4096x128xi1>, vector<4096x128xi32>
    %gt3A_209 = arith.cmpf ogt, %max3A_207, %max3A_110 : vector<4096x128xf32>
    %select_n3A_210 = arith.select %gt3A_209, %select_n3A_208, %select_n3A_109 : vector<4096x128xi1>, vector<4096x128xi32>
    %max3A_211 = arith.maximumf %max3A_110, %max3A_207 : vector<4096x128xf32>
    %get3A_212 = arith.constant 4096 : index
    %get3A_213 = arith.constant 0 : index
    %get3A_214 = vector.load %arg6[%get3A_212, %get3A_213] : memref<8192x64xf32, #tpu.memory_space<vmem>>, vector<2048x64xf32>
    %dot_general3A_215 = arith.constant dense<0.000000e+00> : vector<4096x2048xf32>
    %dot_general3A_216 = tpu.matmul %div3A_9, %get3A_214, %dot_general3A_215 {dimension_numbers = #tpu.dot_dimension_numbers<[1], [1], [0], [0], [0, 0, 1, 0], [], []>, transpose_lhs_hint = false} : vector<4096x64xf32>, vector<2048x64xf32>, vector<4096x2048xf32> -> vector<4096x2048xf32>
    %slice3A_217 = vector.extract_strided_slice %dot_general3A_216 {offsets = [0, 0], sizes = [4096, 128], strides = [1, 1]} : vector<4096x2048xf32> to vector<4096x128xf32>
    %slice3A_218 = vector.extract_strided_slice %dot_general3A_216 {offsets = [0, 128], sizes = [4096, 128], strides = [1, 1]} : vector<4096x2048xf32> to vector<4096x128xf32>
    %slice3A_219 = vector.extract_strided_slice %dot_general3A_216 {offsets = [0, 256], sizes = [4096, 128], strides = [1, 1]} : vector<4096x2048xf32> to vector<4096x128xf32>
    %slice3A_220 = vector.extract_strided_slice %dot_general3A_216 {offsets = [0, 384], sizes = [4096, 128], strides = [1, 1]} : vector<4096x2048xf32> to vector<4096x128xf32>
    %slice3A_221 = vector.extract_strided_slice %dot_general3A_216 {offsets = [0, 512], sizes = [4096, 128], strides = [1, 1]} : vector<4096x2048xf32> to vector<4096x128xf32>
    %slice3A_222 = vector.extract_strided_slice %dot_general3A_216 {offsets = [0, 640], sizes = [4096, 128], strides = [1, 1]} : vector<4096x2048xf32> to vector<4096x128xf32>
    %slice3A_223 = vector.extract_strided_slice %dot_general3A_216 {offsets = [0, 768], sizes = [4096, 128], strides = [1, 1]} : vector<4096x2048xf32> to vector<4096x128xf32>
    %slice3A_224 = vector.extract_strided_slice %dot_general3A_216 {offsets = [0, 896], sizes = [4096, 128], strides = [1, 1]} : vector<4096x2048xf32> to vector<4096x128xf32>
    %slice3A_225 = vector.extract_strided_slice %dot_general3A_216 {offsets = [0, 1024], sizes = [4096, 128], strides = [1, 1]} : vector<4096x2048xf32> to vector<4096x128xf32>
    %slice3A_226 = vector.extract_strided_slice %dot_general3A_216 {offsets = [0, 1152], sizes = [4096, 128], strides = [1, 1]} : vector<4096x2048xf32> to vector<4096x128xf32>
    %slice3A_227 = vector.extract_strided_slice %dot_general3A_216 {offsets = [0, 1280], sizes = [4096, 128], strides = [1, 1]} : vector<4096x2048xf32> to vector<4096x128xf32>
    %slice3A_228 = vector.extract_strided_slice %dot_general3A_216 {offsets = [0, 1408], sizes = [4096, 128], strides = [1, 1]} : vector<4096x2048xf32> to vector<4096x128xf32>
    %slice3A_229 = vector.extract_strided_slice %dot_general3A_216 {offsets = [0, 1536], sizes = [4096, 128], strides = [1, 1]} : vector<4096x2048xf32> to vector<4096x128xf32>
    %slice3A_230 = vector.extract_strided_slice %dot_general3A_216 {offsets = [0, 1664], sizes = [4096, 128], strides = [1, 1]} : vector<4096x2048xf32> to vector<4096x128xf32>
    %slice3A_231 = vector.extract_strided_slice %dot_general3A_216 {offsets = [0, 1792], sizes = [4096, 128], strides = [1, 1]} : vector<4096x2048xf32> to vector<4096x128xf32>
    %slice3A_232 = vector.extract_strided_slice %dot_general3A_216 {offsets = [0, 1920], sizes = [4096, 128], strides = [1, 1]} : vector<4096x2048xf32> to vector<4096x128xf32>
    %broadcast_in_dim3A_233 = arith.constant 32 : i32
    %broadcast_in_dim3A_234 = vector.broadcast %broadcast_in_dim3A_233 : i32 to vector<4096x128xi32>
    %broadcast_in_dim3A_235 = arith.constant 33 : i32
    %broadcast_in_dim3A_236 = vector.broadcast %broadcast_in_dim3A_235 : i32 to vector<4096x128xi32>
    %broadcast_in_dim3A_237 = arith.constant 34 : i32
    %broadcast_in_dim3A_238 = vector.broadcast %broadcast_in_dim3A_237 : i32 to vector<4096x128xi32>
    %broadcast_in_dim3A_239 = arith.constant 35 : i32
    %broadcast_in_dim3A_240 = vector.broadcast %broadcast_in_dim3A_239 : i32 to vector<4096x128xi32>
    %broadcast_in_dim3A_241 = arith.constant 36 : i32
    %broadcast_in_dim3A_242 = vector.broadcast %broadcast_in_dim3A_241 : i32 to vector<4096x128xi32>
    %broadcast_in_dim3A_243 = arith.constant 37 : i32
    %broadcast_in_dim3A_244 = vector.broadcast %broadcast_in_dim3A_243 : i32 to vector<4096x128xi32>
    %broadcast_in_dim3A_245 = arith.constant 38 : i32
    %broadcast_in_dim3A_246 = vector.broadcast %broadcast_in_dim3A_245 : i32 to vector<4096x128xi32>
    %broadcast_in_dim3A_247 = arith.constant 39 : i32
    %broadcast_in_dim3A_248 = vector.broadcast %broadcast_in_dim3A_247 : i32 to vector<4096x128xi32>
    %broadcast_in_dim3A_249 = arith.constant 40 : i32
    %broadcast_in_dim3A_250 = vector.broadcast %broadcast_in_dim3A_249 : i32 to vector<4096x128xi32>
    %broadcast_in_dim3A_251 = arith.constant 41 : i32
    %broadcast_in_dim3A_252 = vector.broadcast %broadcast_in_dim3A_251 : i32 to vector<4096x128xi32>
    %broadcast_in_dim3A_253 = arith.constant 42 : i32
    %broadcast_in_dim3A_254 = vector.broadcast %broadcast_in_dim3A_253 : i32 to vector<4096x128xi32>
    %broadcast_in_dim3A_255 = arith.constant 43 : i32
    %broadcast_in_dim3A_256 = vector.broadcast %broadcast_in_dim3A_255 : i32 to vector<4096x128xi32>
    %broadcast_in_dim3A_257 = arith.constant 44 : i32
    %broadcast_in_dim3A_258 = vector.broadcast %broadcast_in_dim3A_257 : i32 to vector<4096x128xi32>
    %broadcast_in_dim3A_259 = arith.constant 45 : i32
    %broadcast_in_dim3A_260 = vector.broadcast %broadcast_in_dim3A_259 : i32 to vector<4096x128xi32>
    %broadcast_in_dim3A_261 = arith.constant 46 : i32
    %broadcast_in_dim3A_262 = vector.broadcast %broadcast_in_dim3A_261 : i32 to vector<4096x128xi32>
    %broadcast_in_dim3A_263 = arith.constant 47 : i32
    %broadcast_in_dim3A_264 = vector.broadcast %broadcast_in_dim3A_263 : i32 to vector<4096x128xi32>
    %gt3A_265 = arith.cmpf ogt, %slice3A_218, %slice3A_217 : vector<4096x128xf32>
    %max3A_266 = arith.maximumf %slice3A_217, %slice3A_218 : vector<4096x128xf32>
    %select_n3A_267 = arith.select %gt3A_265, %broadcast_in_dim3A_236, %broadcast_in_dim3A_234 : vector<4096x128xi1>, vector<4096x128xi32>
    %gt3A_268 = arith.cmpf ogt, %slice3A_220, %slice3A_219 : vector<4096x128xf32>
    %max3A_269 = arith.maximumf %slice3A_219, %slice3A_220 : vector<4096x128xf32>
    %select_n3A_270 = arith.select %gt3A_268, %broadcast_in_dim3A_240, %broadcast_in_dim3A_238 : vector<4096x128xi1>, vector<4096x128xi32>
    %gt3A_271 = arith.cmpf ogt, %slice3A_222, %slice3A_221 : vector<4096x128xf32>
    %max3A_272 = arith.maximumf %slice3A_221, %slice3A_222 : vector<4096x128xf32>
    %select_n3A_273 = arith.select %gt3A_271, %broadcast_in_dim3A_244, %broadcast_in_dim3A_242 : vector<4096x128xi1>, vector<4096x128xi32>
    %gt3A_274 = arith.cmpf ogt, %slice3A_224, %slice3A_223 : vector<4096x128xf32>
    %max3A_275 = arith.maximumf %slice3A_223, %slice3A_224 : vector<4096x128xf32>
    %select_n3A_276 = arith.select %gt3A_274, %broadcast_in_dim3A_248, %broadcast_in_dim3A_246 : vector<4096x128xi1>, vector<4096x128xi32>
    %gt3A_277 = arith.cmpf ogt, %slice3A_226, %slice3A_225 : vector<4096x128xf32>
    %max3A_278 = arith.maximumf %slice3A_225, %slice3A_226 : vector<4096x128xf32>
    %select_n3A_279 = arith.select %gt3A_277, %broadcast_in_dim3A_252, %broadcast_in_dim3A_250 : vector<4096x128xi1>, vector<4096x128xi32>
    %gt3A_280 = arith.cmpf ogt, %slice3A_228, %slice3A_227 : vector<4096x128xf32>
    %max3A_281 = arith.maximumf %slice3A_227, %slice3A_228 : vector<4096x128xf32>
    %select_n3A_282 = arith.select %gt3A_280, %broadcast_in_dim3A_256, %broadcast_in_dim3A_254 : vector<4096x128xi1>, vector<4096x128xi32>
    %gt3A_283 = arith.cmpf ogt, %slice3A_230, %slice3A_229 : vector<4096x128xf32>
    %max3A_284 = arith.maximumf %slice3A_229, %slice3A_230 : vector<4096x128xf32>
    %select_n3A_285 = arith.select %gt3A_283, %broadcast_in_dim3A_260, %broadcast_in_dim3A_258 : vector<4096x128xi1>, vector<4096x128xi32>
    %gt3A_286 = arith.cmpf ogt, %slice3A_232, %slice3A_231 : vector<4096x128xf32>
    %max3A_287 = arith.maximumf %slice3A_231, %slice3A_232 : vector<4096x128xf32>
    %select_n3A_288 = arith.select %gt3A_286, %broadcast_in_dim3A_264, %broadcast_in_dim3A_262 : vector<4096x128xi1>, vector<4096x128xi32>
    %gt3A_289 = arith.cmpf ogt, %max3A_269, %max3A_266 : vector<4096x128xf32>
    %max3A_290 = arith.maximumf %max3A_266, %max3A_269 : vector<4096x128xf32>
    %select_n3A_291 = arith.select %gt3A_289, %select_n3A_270, %select_n3A_267 : vector<4096x128xi1>, vector<4096x128xi32>
    %gt3A_292 = arith.cmpf ogt, %max3A_275, %max3A_272 : vector<4096x128xf32>
    %max3A_293 = arith.maximumf %max3A_272, %max3A_275 : vector<4096x128xf32>
    %select_n3A_294 = arith.select %gt3A_292, %select_n3A_276, %select_n3A_273 : vector<4096x128xi1>, vector<4096x128xi32>
    %gt3A_295 = arith.cmpf ogt, %max3A_281, %max3A_278 : vector<4096x128xf32>
    %max3A_296 = arith.maximumf %max3A_278, %max3A_281 : vector<4096x128xf32>
    %select_n3A_297 = arith.select %gt3A_295, %select_n3A_282, %select_n3A_279 : vector<4096x128xi1>, vector<4096x128xi32>
    %gt3A_298 = arith.cmpf ogt, %max3A_287, %max3A_284 : vector<4096x128xf32>
    %max3A_299 = arith.maximumf %max3A_284, %max3A_287 : vector<4096x128xf32>
    %select_n3A_300 = arith.select %gt3A_298, %select_n3A_288, %select_n3A_285 : vector<4096x128xi1>, vector<4096x128xi32>
    %gt3A_301 = arith.cmpf ogt, %max3A_293, %max3A_290 : vector<4096x128xf32>
    %max3A_302 = arith.maximumf %max3A_290, %max3A_293 : vector<4096x128xf32>
    %select_n3A_303 = arith.select %gt3A_301, %select_n3A_294, %select_n3A_291 : vector<4096x128xi1>, vector<4096x128xi32>
    %gt3A_304 = arith.cmpf ogt, %max3A_299, %max3A_296 : vector<4096x128xf32>
    %max3A_305 = arith.maximumf %max3A_296, %max3A_299 : vector<4096x128xf32>
    %select_n3A_306 = arith.select %gt3A_304, %select_n3A_300, %select_n3A_297 : vector<4096x128xi1>, vector<4096x128xi32>
    %gt3A_307 = arith.cmpf ogt, %max3A_305, %max3A_302 : vector<4096x128xf32>
    %max3A_308 = arith.maximumf %max3A_302, %max3A_305 : vector<4096x128xf32>
    %select_n3A_309 = arith.select %gt3A_307, %select_n3A_306, %select_n3A_303 : vector<4096x128xi1>, vector<4096x128xi32>
    %gt3A_310 = arith.cmpf ogt, %max3A_308, %max3A_211 : vector<4096x128xf32>
    %select_n3A_311 = arith.select %gt3A_310, %select_n3A_309, %select_n3A_210 : vector<4096x128xi1>, vector<4096x128xi32>
    %max3A_312 = arith.maximumf %max3A_211, %max3A_308 : vector<4096x128xf32>
    %get3A_313 = arith.constant 6144 : index
    %get3A_314 = arith.constant 0 : index
    %get3A_315 = vector.load %arg6[%get3A_313, %get3A_314] : memref<8192x64xf32, #tpu.memory_space<vmem>>, vector<2048x64xf32>
    %dot_general3A_316 = arith.constant dense<0.000000e+00> : vector<4096x2048xf32>
    %dot_general3A_317 = tpu.matmul %div3A_9, %get3A_315, %dot_general3A_316 {dimension_numbers = #tpu.dot_dimension_numbers<[1], [1], [0], [0], [0, 0, 1, 0], [], []>, transpose_lhs_hint = false} : vector<4096x64xf32>, vector<2048x64xf32>, vector<4096x2048xf32> -> vector<4096x2048xf32>
    %slice3A_318 = vector.extract_strided_slice %dot_general3A_317 {offsets = [0, 0], sizes = [4096, 128], strides = [1, 1]} : vector<4096x2048xf32> to vector<4096x128xf32>
    %slice3A_319 = vector.extract_strided_slice %dot_general3A_317 {offsets = [0, 128], sizes = [4096, 128], strides = [1, 1]} : vector<4096x2048xf32> to vector<4096x128xf32>
    %slice3A_320 = vector.extract_strided_slice %dot_general3A_317 {offsets = [0, 256], sizes = [4096, 128], strides = [1, 1]} : vector<4096x2048xf32> to vector<4096x128xf32>
    %slice3A_321 = vector.extract_strided_slice %dot_general3A_317 {offsets = [0, 384], sizes = [4096, 128], strides = [1, 1]} : vector<4096x2048xf32> to vector<4096x128xf32>
    %slice3A_322 = vector.extract_strided_slice %dot_general3A_317 {offsets = [0, 512], sizes = [4096, 128], strides = [1, 1]} : vector<4096x2048xf32> to vector<4096x128xf32>
    %slice3A_323 = vector.extract_strided_slice %dot_general3A_317 {offsets = [0, 640], sizes = [4096, 128], strides = [1, 1]} : vector<4096x2048xf32> to vector<4096x128xf32>
    %slice3A_324 = vector.extract_strided_slice %dot_general3A_317 {offsets = [0, 768], sizes = [4096, 128], strides = [1, 1]} : vector<4096x2048xf32> to vector<4096x128xf32>
    %slice3A_325 = vector.extract_strided_slice %dot_general3A_317 {offsets = [0, 896], sizes = [4096, 128], strides = [1, 1]} : vector<4096x2048xf32> to vector<4096x128xf32>
    %slice3A_326 = vector.extract_strided_slice %dot_general3A_317 {offsets = [0, 1024], sizes = [4096, 128], strides = [1, 1]} : vector<4096x2048xf32> to vector<4096x128xf32>
    %slice3A_327 = vector.extract_strided_slice %dot_general3A_317 {offsets = [0, 1152], sizes = [4096, 128], strides = [1, 1]} : vector<4096x2048xf32> to vector<4096x128xf32>
    %slice3A_328 = vector.extract_strided_slice %dot_general3A_317 {offsets = [0, 1280], sizes = [4096, 128], strides = [1, 1]} : vector<4096x2048xf32> to vector<4096x128xf32>
    %slice3A_329 = vector.extract_strided_slice %dot_general3A_317 {offsets = [0, 1408], sizes = [4096, 128], strides = [1, 1]} : vector<4096x2048xf32> to vector<4096x128xf32>
    %slice3A_330 = vector.extract_strided_slice %dot_general3A_317 {offsets = [0, 1536], sizes = [4096, 128], strides = [1, 1]} : vector<4096x2048xf32> to vector<4096x128xf32>
    %slice3A_331 = vector.extract_strided_slice %dot_general3A_317 {offsets = [0, 1664], sizes = [4096, 128], strides = [1, 1]} : vector<4096x2048xf32> to vector<4096x128xf32>
    %slice3A_332 = vector.extract_strided_slice %dot_general3A_317 {offsets = [0, 1792], sizes = [4096, 128], strides = [1, 1]} : vector<4096x2048xf32> to vector<4096x128xf32>
    %slice3A_333 = vector.extract_strided_slice %dot_general3A_317 {offsets = [0, 1920], sizes = [4096, 128], strides = [1, 1]} : vector<4096x2048xf32> to vector<4096x128xf32>
    %broadcast_in_dim3A_334 = arith.constant 48 : i32
    %broadcast_in_dim3A_335 = vector.broadcast %broadcast_in_dim3A_334 : i32 to vector<4096x128xi32>
    %broadcast_in_dim3A_336 = arith.constant 49 : i32
    %broadcast_in_dim3A_337 = vector.broadcast %broadcast_in_dim3A_336 : i32 to vector<4096x128xi32>
    %broadcast_in_dim3A_338 = arith.constant 50 : i32
    %broadcast_in_dim3A_339 = vector.broadcast %broadcast_in_dim3A_338 : i32 to vector<4096x128xi32>
    %broadcast_in_dim3A_340 = arith.constant 51 : i32
    %broadcast_in_dim3A_341 = vector.broadcast %broadcast_in_dim3A_340 : i32 to vector<4096x128xi32>
    %broadcast_in_dim3A_342 = arith.constant 52 : i32
    %broadcast_in_dim3A_343 = vector.broadcast %broadcast_in_dim3A_342 : i32 to vector<4096x128xi32>
    %broadcast_in_dim3A_344 = arith.constant 53 : i32
    %broadcast_in_dim3A_345 = vector.broadcast %broadcast_in_dim3A_344 : i32 to vector<4096x128xi32>
    %broadcast_in_dim3A_346 = arith.constant 54 : i32
    %broadcast_in_dim3A_347 = vector.broadcast %broadcast_in_dim3A_346 : i32 to vector<4096x128xi32>
    %broadcast_in_dim3A_348 = arith.constant 55 : i32
    %broadcast_in_dim3A_349 = vector.broadcast %broadcast_in_dim3A_348 : i32 to vector<4096x128xi32>
    %broadcast_in_dim3A_350 = arith.constant 56 : i32
    %broadcast_in_dim3A_351 = vector.broadcast %broadcast_in_dim3A_350 : i32 to vector<4096x128xi32>
    %broadcast_in_dim3A_352 = arith.constant 57 : i32
    %broadcast_in_dim3A_353 = vector.broadcast %broadcast_in_dim3A_352 : i32 to vector<4096x128xi32>
    %broadcast_in_dim3A_354 = arith.constant 58 : i32
    %broadcast_in_dim3A_355 = vector.broadcast %broadcast_in_dim3A_354 : i32 to vector<4096x128xi32>
    %broadcast_in_dim3A_356 = arith.constant 59 : i32
    %broadcast_in_dim3A_357 = vector.broadcast %broadcast_in_dim3A_356 : i32 to vector<4096x128xi32>
    %broadcast_in_dim3A_358 = arith.constant 60 : i32
    %broadcast_in_dim3A_359 = vector.broadcast %broadcast_in_dim3A_358 : i32 to vector<4096x128xi32>
    %broadcast_in_dim3A_360 = arith.constant 61 : i32
    %broadcast_in_dim3A_361 = vector.broadcast %broadcast_in_dim3A_360 : i32 to vector<4096x128xi32>
    %broadcast_in_dim3A_362 = arith.constant 62 : i32
    %broadcast_in_dim3A_363 = vector.broadcast %broadcast_in_dim3A_362 : i32 to vector<4096x128xi32>
    %broadcast_in_dim3A_364 = arith.constant 63 : i32
    %broadcast_in_dim3A_365 = vector.broadcast %broadcast_in_dim3A_364 : i32 to vector<4096x128xi32>
    %gt3A_366 = arith.cmpf ogt, %slice3A_319, %slice3A_318 : vector<4096x128xf32>
    %max3A_367 = arith.maximumf %slice3A_318, %slice3A_319 : vector<4096x128xf32>
    %select_n3A_368 = arith.select %gt3A_366, %broadcast_in_dim3A_337, %broadcast_in_dim3A_335 : vector<4096x128xi1>, vector<4096x128xi32>
    %gt3A_369 = arith.cmpf ogt, %slice3A_321, %slice3A_320 : vector<4096x128xf32>
    %max3A_370 = arith.maximumf %slice3A_320, %slice3A_321 : vector<4096x128xf32>
    %select_n3A_371 = arith.select %gt3A_369, %broadcast_in_dim3A_341, %broadcast_in_dim3A_339 : vector<4096x128xi1>, vector<4096x128xi32>
    %gt3A_372 = arith.cmpf ogt, %slice3A_323, %slice3A_322 : vector<4096x128xf32>
    %max3A_373 = arith.maximumf %slice3A_322, %slice3A_323 : vector<4096x128xf32>
    %select_n3A_374 = arith.select %gt3A_372, %broadcast_in_dim3A_345, %broadcast_in_dim3A_343 : vector<4096x128xi1>, vector<4096x128xi32>
    %gt3A_375 = arith.cmpf ogt, %slice3A_325, %slice3A_324 : vector<4096x128xf32>
    %max3A_376 = arith.maximumf %slice3A_324, %slice3A_325 : vector<4096x128xf32>
    %select_n3A_377 = arith.select %gt3A_375, %broadcast_in_dim3A_349, %broadcast_in_dim3A_347 : vector<4096x128xi1>, vector<4096x128xi32>
    %gt3A_378 = arith.cmpf ogt, %slice3A_327, %slice3A_326 : vector<4096x128xf32>
    %max3A_379 = arith.maximumf %slice3A_326, %slice3A_327 : vector<4096x128xf32>
    %select_n3A_380 = arith.select %gt3A_378, %broadcast_in_dim3A_353, %broadcast_in_dim3A_351 : vector<4096x128xi1>, vector<4096x128xi32>
    %gt3A_381 = arith.cmpf ogt, %slice3A_329, %slice3A_328 : vector<4096x128xf32>
    %max3A_382 = arith.maximumf %slice3A_328, %slice3A_329 : vector<4096x128xf32>
    %select_n3A_383 = arith.select %gt3A_381, %broadcast_in_dim3A_357, %broadcast_in_dim3A_355 : vector<4096x128xi1>, vector<4096x128xi32>
    %gt3A_384 = arith.cmpf ogt, %slice3A_331, %slice3A_330 : vector<4096x128xf32>
    %max3A_385 = arith.maximumf %slice3A_330, %slice3A_331 : vector<4096x128xf32>
    %select_n3A_386 = arith.select %gt3A_384, %broadcast_in_dim3A_361, %broadcast_in_dim3A_359 : vector<4096x128xi1>, vector<4096x128xi32>
    %gt3A_387 = arith.cmpf ogt, %slice3A_333, %slice3A_332 : vector<4096x128xf32>
    %max3A_388 = arith.maximumf %slice3A_332, %slice3A_333 : vector<4096x128xf32>
    %select_n3A_389 = arith.select %gt3A_387, %broadcast_in_dim3A_365, %broadcast_in_dim3A_363 : vector<4096x128xi1>, vector<4096x128xi32>
    %gt3A_390 = arith.cmpf ogt, %max3A_370, %max3A_367 : vector<4096x128xf32>
    %max3A_391 = arith.maximumf %max3A_367, %max3A_370 : vector<4096x128xf32>
    %select_n3A_392 = arith.select %gt3A_390, %select_n3A_371, %select_n3A_368 : vector<4096x128xi1>, vector<4096x128xi32>
    %gt3A_393 = arith.cmpf ogt, %max3A_376, %max3A_373 : vector<4096x128xf32>
    %max3A_394 = arith.maximumf %max3A_373, %max3A_376 : vector<4096x128xf32>
    %select_n3A_395 = arith.select %gt3A_393, %select_n3A_377, %select_n3A_374 : vector<4096x128xi1>, vector<4096x128xi32>
    %gt3A_396 = arith.cmpf ogt, %max3A_382, %max3A_379 : vector<4096x128xf32>
    %max3A_397 = arith.maximumf %max3A_379, %max3A_382 : vector<4096x128xf32>
    %select_n3A_398 = arith.select %gt3A_396, %select_n3A_383, %select_n3A_380 : vector<4096x128xi1>, vector<4096x128xi32>
    %gt3A_399 = arith.cmpf ogt, %max3A_388, %max3A_385 : vector<4096x128xf32>
    %max3A_400 = arith.maximumf %max3A_385, %max3A_388 : vector<4096x128xf32>
    %select_n3A_401 = arith.select %gt3A_399, %select_n3A_389, %select_n3A_386 : vector<4096x128xi1>, vector<4096x128xi32>
    %gt3A_402 = arith.cmpf ogt, %max3A_394, %max3A_391 : vector<4096x128xf32>
    %max3A_403 = arith.maximumf %max3A_391, %max3A_394 : vector<4096x128xf32>
    %select_n3A_404 = arith.select %gt3A_402, %select_n3A_395, %select_n3A_392 : vector<4096x128xi1>, vector<4096x128xi32>
    %gt3A_405 = arith.cmpf ogt, %max3A_400, %max3A_397 : vector<4096x128xf32>
    %max3A_406 = arith.maximumf %max3A_397, %max3A_400 : vector<4096x128xf32>
    %select_n3A_407 = arith.select %gt3A_405, %select_n3A_401, %select_n3A_398 : vector<4096x128xi1>, vector<4096x128xi32>
    %gt3A_408 = arith.cmpf ogt, %max3A_406, %max3A_403 : vector<4096x128xf32>
    %max3A_409 = arith.maximumf %max3A_403, %max3A_406 : vector<4096x128xf32>
    %select_n3A_410 = arith.select %gt3A_408, %select_n3A_407, %select_n3A_404 : vector<4096x128xi1>, vector<4096x128xi32>
    %gt3A_411 = arith.cmpf ogt, %max3A_409, %max3A_312 : vector<4096x128xf32>
    %select_n3A_412 = arith.select %gt3A_411, %select_n3A_410, %select_n3A_311 : vector<4096x128xi1>, vector<4096x128xi32>
    %max3A_413 = arith.maximumf %max3A_312, %max3A_409 : vector<4096x128xf32>
    %iota3A = tpu.iota {dimensions = array<i32: 1>} : vector<4096x128xi32>
    %mul3A_414 = arith.constant 128 : i32
    %mul3A_415 = vector.broadcast %mul3A_414 : i32 to vector<4096x128xi32>
    %mul3A_416 = arith.muli %select_n3A_412, %mul3A_415 : vector<4096x128xi32>
    %add3A = arith.addi %mul3A_416, %iota3A : vector<4096x128xi32>
    %reduce_max3A = arith.constant dense<0xFF800000> : vector<4096xf32>
    %reduce_max3A_417 = vector.multi_reduction <maximumf>, %max3A_413, %reduce_max3A [1] : vector<4096x128xf32> to vector<4096xf32>
    %broadcast_in_dim3A_418 = vector.shape_cast %reduce_max3A_417 : vector<4096xf32> to vector<4096x1xf32>
    %eq3A_419 = vector.broadcast %broadcast_in_dim3A_418 : vector<4096x1xf32> to vector<4096x128xf32>
    %eq3A_420 = arith.cmpf oeq, %max3A_413, %eq3A_419 : vector<4096x128xf32>
    %jit3A = arith.constant 8192 : i32
    %broadcast_in_dim3A_421 = vector.broadcast %jit3A : i32 to vector<4096x128xi32>
    %select_n3A_422 = arith.select %eq3A_420, %add3A, %broadcast_in_dim3A_421 : vector<4096x128xi1>, vector<4096x128xi32>
    %reduce_min3A = arith.constant dense<2147483647> : vector<4096xi32>
    %reduce_min3A_423 = vector.multi_reduction <minsi>, %select_n3A_422, %reduce_min3A [1] : vector<4096x128xi32> to vector<4096xi32>
    %broadcast_in_dim3A_424 = vector.shape_cast %reduce_min3A_423 : vector<4096xi32> to vector<4096x1xi32>
    %swap3A = arith.constant 0 : index
    %swap3A_425 = arith.constant 0 : index
    %swap3A_426 = vector.load %arg3[%swap3A, %swap3A_425] : memref<4096x1xi32, #tpu.memory_space<vmem>>, vector<4096x1xi32>
    tpu.vector_store %arg3[%swap3A, %swap3A_425], %broadcast_in_dim3A_424 {strides = array<i32>} : memref<4096x1xi32, #tpu.memory_space<vmem>>, vector<4096x1xi32>,
    %eq3A_427 = arith.constant 0 : i32
    %eq3A_428 = arith.cmpi eq, %arg0, %eq3A_427 : i32
    %convert_element_type3A_429 = arith.extui %eq3A_428 : i1 to i32
    %cond3A_430 = arith.constant 0 : i32
    %cond3A_431 = arith.cmpi ne, %convert_element_type3A_429, %cond3A_430 : i32
    scf.if %cond3A_431 {
      %broadcast_in_dim3A_450 = arith.constant 0.000000e+00 : f32
      %broadcast_in_dim3A_451 = vector.broadcast %broadcast_in_dim3A_450 : f32 to vector<1x1xf32>
      %swap3A_452 = arith.constant 0 : index
      %swap3A_453 = arith.constant 0 : index
      %swap3A_454 = vector.load %arg4[%swap3A_452, %swap3A_453] : memref<1x1xf32, #tpu.memory_space<vmem>>, vector<1x1xf32>
      tpu.vector_store %arg4[%swap3A_452, %swap3A_453], %broadcast_in_dim3A_451 {strides = array<i32>} : memref<1x1xf32, #tpu.memory_space<vmem>>, vector<1x1xf32>,
    } else {
    }
    %get3A_432 = arith.constant 0 : index
    %get3A_433 = arith.constant 0 : index
    %get3A_434 = vector.load %arg4[%get3A_432, %get3A_433] : memref<1x1xf32, #tpu.memory_space<vmem>>, vector<1x1xf32>
    %reduce_sum3A_435 = vector.shape_cast %broadcast_in_dim3A_418 : vector<4096x1xf32> to vector<1x4096x1xf32>
    %reduce_sum3A_436 = arith.constant dense<0.000000e+00> : vector<1xf32>
    %reduce_sum3A_437 = vector.multi_reduction <add>, %reduce_sum3A_435, %reduce_sum3A_436 [1, 2] : vector<1x4096x1xf32> to vector<1xf32>
    %reduce_sum3A_438 = vector.shape_cast %reduce_sum3A_437 : vector<1xf32> to vector<1x1x1xf32>
    %reduce_sum3A_439 = vector.extract %reduce_sum3A_438[0, 0, 0] : f32 from vector<1x1x1xf32>
    %broadcast_in_dim3A_440 = vector.broadcast %reduce_sum3A_439 : f32 to vector<1x1xf32>
    %add3A_441 = arith.addf %get3A_434, %broadcast_in_dim3A_440 : vector<1x1xf32>
    %swap3A_442 = arith.constant 0 : index
    %swap3A_443 = arith.constant 0 : index
    %swap3A_444 = vector.load %arg4[%swap3A_442, %swap3A_443] : memref<1x1xf32, #tpu.memory_space<vmem>>, vector<1x1xf32>
    tpu.vector_store %arg4[%swap3A_442, %swap3A_443], %add3A_441 {strides = array<i32>} : memref<1x1xf32, #tpu.memory_space<vmem>>, vector<1x1xf32>,
    %eq3A_445 = arith.constant 1 : i32
    %eq3A_446 = arith.cmpi eq, %arg0, %eq3A_445 : i32
    %convert_element_type3A_447 = arith.extui %eq3A_446 : i1 to i32
    %cond3A_448 = arith.constant 0 : i32
    %cond3A_449 = arith.cmpi ne, %convert_element_type3A_447, %cond3A_448 : i32
    scf.if %cond3A_449 {
      %get3A_450 = arith.constant 0 : index
      %get3A_451 = arith.constant 0 : index
      %get3A_452 = vector.load %arg4[%get3A_450, %get3A_451] : memref<1x1xf32, #tpu.memory_space<vmem>>, vector<1x1xf32>
      %sub3A = arith.constant 8.192000e+03 : f32
      %sub3A_453 = vector.broadcast %sub3A : f32 to vector<1x1xf32>
      %sub3A_454 = arith.subf %sub3A_453, %get3A_452 : vector<1x1xf32>
      %mul3A_455 = arith.constant 2.100000e+00 : f32
      %mul3A_456 = vector.broadcast %mul3A_455 : f32 to vector<1x1xf32>
      %mul3A_457 = arith.mulf %mul3A_456, %sub3A_454 : vector<1x1xf32>
      %div3A_458 = arith.constant 5.242880e+05 : f32
      %div3A_459 = vector.broadcast %div3A_458 : f32 to vector<1x1xf32>
      %div3A_460 = arith.divf %mul3A_457, %div3A_459 : vector<1x1xf32>
      %swap3A_461 = arith.constant 0 : index
      %swap3A_462 = arith.constant 0 : index
      %swap3A_463 = vector.load %arg4[%swap3A_461, %swap3A_462] : memref<1x1xf32, #tpu.memory_space<vmem>>, vector<1x1xf32>
      tpu.vector_store %arg4[%swap3A_461, %swap3A_462], %div3A_460 {strides = array<i32>} : memref<1x1xf32, #tpu.memory_space<vmem>>, vector<1x1xf32>,
    } else {
    }
    return
  }
  func.func @transform_0(%arg0: i32) -> (i32, i32, i32) {
    %c0_i32 = arith.constant 0 : i32
    %c0_i32_0 = arith.constant 0 : i32
    %c0_i32_1 = arith.constant 0 : i32
    return %arg0, %c0_i32, %c0_i32_0 : i32, i32, i32
  }
  func.func @transform_1(%arg0: i32) -> (i32, i32) {
    %c0_i32 = arith.constant 0 : i32
    %c0_i32_0 = arith.constant 0 : i32
    %c0_i32_1 = arith.constant 0 : i32
    return %c0_i32, %c0_i32_0 : i32, i32
  }
  func.func @transform_2(%arg0: i32) -> (i32, i32) {
    %c0_i32 = arith.constant 0 : i32
    %c0_i32_0 = arith.constant 0 : i32
    return %arg0, %c0_i32 : i32, i32
  }
  func.func @transform_3(%arg0: i32) -> (i32, i32) {
    %c0_i32 = arith.constant 0 : i32
    %c0_i32_0 = arith.constant 0 : i32
    %c0_i32_1 = arith.constant 0 : i32
    return %c0_i32, %c0_i32_0 : i32, i32
  }
  func.func @transform_4(%arg0: i32) -> (i32, i32) {
    %c0_i32 = arith.constant 0 : i32
    %c0_i32_0 = arith.constant 0 : i32
    %c0_i32_1 = arith.constant 0 : i32
    return %c0_i32, %c0_i32_0 : i32, i32
  }
}

</mosaic_0001>

<sc_bundles>
// kernel: kernel.4.cloned.1.call-start
scs
__scs_entry_jumppad:
0x0: {  	(pc) =	sbr.rel $0x88, $3  }
0x1: {  	(tag) =	ssettag $0x0;
	lr =	simm.s32 $0x1  }
0x2: {  	[smem:$0x3F9F] =	sst lr;
	_ =	strace $0xD0000000  }
0x3: {  	_ = 	snop  }
0x4: {  	_ = 	snop  }
0x5: {  	_ = 	snop  }
0x6: {  	_ = 	snop  }
0x7: {  	_ = 	snop  }
__scs_overlays_trampoline_lowered:
0x8: {  	[smem:$0x3FAE] =	sst s0  }
0x9: {  	[smem:$0x3FAF] =	sst s1  }
0xa: {  	[smem:$0x3FB0] =	sst s2  }
0xb: {  	[smem:$0x3FB1] =	sst s3  }
0xc: {  	[smem:$0x3FB2] =	sst s4  }
0xd: {  	[smem:$0x3FB3] =	sst s5  }
0xe: {  	[smem:$0x3FB4] =	sst s6  }
0xf: {  	[smem:$0x3FB5] =	sst s7  }
0x10: {  	[smem:$0x3FB6] =	sst s8  }
0x11: {  	[smem:$0x3FB7] =	sst s9;
	s0 =	simm.s32 @!p0 $0x0  }
0x12: {  	s1 =	sld [smem:$0x3F9D];
	s0 =	simm.s32 @p0 $0x1  }
0x13: {  	[smem:$0x3FB8] =	sst s0;
	s0 =	simm.s32 @!p1 $0x0  }
0x14: {  	s2 =	sld [smem:$0x3F9C];
	s0 =	simm.s32 @p1 $0x1  }
0x15: {  	[smem:$0x3FB9] =	sst s0;
	s0 =	simm.s32 @!p2 $0x0  }
0x16: {  	s3 =	sld [smem:$0x3FDB];
	s0 =	simm.s32 @p2 $0x1  }
0x17: {  	s4 =	simm.s32 $0x1BF5;
	[smem:$0x3FBB] =	sst s0  }
0x18: {  	s0 =	sld [smem:$0x3F9E];
	_ =	swait.ge [sflag:s4], $0x0  }
0x19: {  	s7 =	sld [smem:$0x3F9F]  }
0x1a: {  	s8 =	sadd.s32 $0xFFFFE003, lr  }
0x1b: {  	s9 =	sadd.s32 $0xFFFFFEF7, lr;
	s5 =	simm.s32 $0xFFFFFFFF;
	p2 =	slt.u32 s8, $0xFFFFF086  }
0x1c: {  	p1 =	slt.u32 s9, $0xF7A;
	s5 =	simm.s32 @!p2 $0x0  }
0x1d: {  	s5 =	simm.s32 @p1 $0x1;
	p0 =	seq.s32 s7, s2  }
0x1e: {  	s7 =	smul.u32 @!p0 $0xF7A, s2;
	p2 =	seq.s32 @!p0 s5, $0x0  }
0x1f: {  	s9 =	smul.u32 $0xF7A, s1;
	s8 =	simm.s32 @!p0 $0x1BF5;
	p2 =	por !p2, p0  }
0x20: {  	[sflag:s8] =	ssyncset.s32 @!p0 $0xFFFFF086;
	s6 =	sadd.s32 @!p0 s3, s7;
	s7 =	simm.s32 @!p0 $0x108  }
0x21: {  	s3 =	sadd.s32 s3, s9;
	s6 =	sadd.s32 @!p0 $0x88, s6;
	s7 =	simm.s32 @p2 $0x1082  }
0x22: {  	[simem:s7], [sflag:s8] =	dma.local @!p0 [hbm:s6], $0xF7A  }
0x23: {  	s9 =	sor.u32 $0xD0000000, s2;
	s6 =	simm.s32 $0x108;
	_ =	swait.ge @!p0 [sflag:s8], $0x0  }
0x24: {  	s3 =	sadd.s32 $0x88, s3;
	s6 =	simm.s32 @!p1 $0x1082;
	[sflag:s4] =	ssyncset.s32 $0xFFFFF086  }
0x25: {  	[simem:s6], [sflag:s4] =	dma.local [hbm:s3], $0xF7A  }
0x26: {  	[smem:$0x3F9F] =	sst s1;
	(tag) =	ssettag s2;
	_ =	strace s9  }
0x27: {  	s1 =	sld [smem:$0x3FAF]  }
0x28: {  	s2 =	sld [smem:$0x3FB0]  }
0x29: {  	s4 =	sld [smem:$0x3FB2]  }
0x2a: {  	p0 =	seq.s32 s5, $0x0;
	s5 =	sld [smem:$0x3FB3]  }
0x2b: {  	s6 =	sld [smem:$0x3FB4]  }
0x2c: {  	s7 =	sld [smem:$0x3FB5]  }
0x2d: {  	s3 =	simm.s32 $0x108;
	s8 =	sld [smem:$0x3FB6]  }
0x2e: {  	s3 =	simm.s32 @!p0 $0x1082;
	s9 =	sld [smem:$0x3FB7]  }
0x2f: {  	lr =	sadd.s32 s0, s3;
	s0 =	sld [smem:$0x3FAE]  }
0x30: {  	s3 =	sld [smem:$0x3FB1]  }
0x31: {  	[smem:$0x3FBA] =	sst s10  }
0x32: {  	s10 =	sld [smem:$0x3FB8];
	_ =	sdelay $0x3  }
0x33: {  	p0 =	seq.s32 s10, $0x1;
	s10 =	sld [smem:$0x3FBA];
	_ =	sdelay $0x3  }
0x34: {  	[smem:$0x3FBA] =	sst s10  }
0x35: {  	s10 =	sld [smem:$0x3FB9];
	_ =	sdelay $0x3  }
0x36: {  	p1 =	seq.s32 s10, $0x1;
	s10 =	sld [smem:$0x3FBA];
	_ =	sdelay $0x3  }
0x37: {  	[smem:$0x3FBA] =	sst s10  }
0x38: {  	s10 =	sld [smem:$0x3FBB]  }
0x39: {  	_ = 	snop;
	(pc) =	sbr.ind lr, $3  }
0x3a: {  	_ = 	snop  }
0x3b: {  	_ = 	snop  }
0x3c: {  	p2 =	seq.s32 s10, $0x1;
	s10 =	sld [smem:$0x3FBA]  }
0x3d: {  	_ =	shalt  }
0x3e: {  	_ =	shalt  }
0x3f: {  	_ =	shalt  }
0x40: {  	_ =	shalt  }
0x41: {  	_ =	shalt  }
0x42: {  	_ =	shalt  }
0x43: {  	_ =	shalt  }
0x44: {  	_ =	shalt  }
0x45: {  	_ =	shalt  }
0x46: {  	_ =	shalt  }
0x47: {  	_ =	shalt  }
0x48: {  	_ =	shalt  }
0x49: {  	_ =	shalt  }
0x4a: {  	_ =	shalt  }
0x4b: {  	_ =	shalt  }
0x4c: {  	_ =	shalt  }
0x4d: {  	_ =	shalt  }
0x4e: {  	_ =	shalt  }
0x4f: {  	_ =	shalt  }
0x50: {  	_ =	shalt  }
0x51: {  	_ =	shalt  }
0x52: {  	_ =	shalt  }
0x53: {  	_ =	shalt  }
0x54: {  	_ =	shalt  }
0x55: {  	_ =	shalt  }
0x56: {  	_ =	shalt  }
0x57: {  	_ =	shalt  }
0x58: {  	_ =	shalt  }
0x59: {  	_ =	shalt  }
0x5a: {  	_ =	shalt  }
0x5b: {  	_ =	shalt  }
0x5c: {  	_ =	shalt  }
0x5d: {  	_ =	shalt  }
0x5e: {  	_ =	shalt  }
0x5f: {  	_ =	shalt  }
0x60: {  	_ =	shalt  }
0x61: {  	_ =	shalt  }
0x62: {  	_ =	shalt  }
0x63: {  	_ =	shalt  }
0x64: {  	_ =	shalt  }
0x65: {  	_ =	shalt  }
0x66: {  	_ =	shalt  }
0x67: {  	_ =	shalt  }
0x68: {  	_ =	shalt  }
0x69: {  	_ =	shalt  }
0x6a: {  	_ =	shalt  }
0x6b: {  	_ =	shalt  }
0x6c: {  	_ =	shalt  }
0x6d: {  	_ =	shalt  }
0x6e: {  	_ =	shalt  }
0x6f: {  	_ =	shalt  }
0x70: {  	_ =	shalt  }
0x71: {  	_ =	shalt  }
0x72: {  	_ =	shalt  }
0x73: {  	_ =	shalt  }
0x74: {  	_ =	shalt  }
0x75: {  	_ =	shalt  }
0x76: {  	_ =	shalt  }
0x77: {  	_ =	shalt  }
0x78: {  	_ =	shalt  }
0x79: {  	_ =	shalt  }
0x7a: {  	_ =	shalt  }
0x7b: {  	_ =	shalt  }
0x7c: {  	_ =	shalt  }
0x7d: {  	_ =	shalt  }
0x7e: {  	_ =	shalt  }
0x7f: {  	_ =	shalt  }
0x80: {  	_ =	shalt  }
0x81: {  	_ =	shalt  }
0x82: {  	_ =	shalt  }
0x83: {  	_ =	shalt  }
0x84: {  	_ =	shalt  }
0x85: {  	_ =	shalt  }
0x86: {  	_ =	shalt  }
0x87: {  	_ =	shalt  }
.Lfunc_end0:
.L_simem_size_0:
called_computation_lowered:
.L_overlay_start_0:
0x88: {  	s2 =	sld [smem:$0x3FD9]  }
0x89: {  	s3 =	sld [smem:$0x3FFE];
	_ =	sdelay $0x1  }
0x8a: {  	s1 =	srdreg.scid  }
0x8b: {  	s0 =	sand.u32 $0x1, s1  }
0x8c: {  	s14 =	sshll.u32 s0, $0xA;
	s2 =	sadd.s32 s3, s2  }
0x8d: {  	s2 =	sadd.s32 s2, s14  }
0x8e: {  	[smem:$0x3FC6] =	sst s2  }
0x8f: {  	_ = 	snop  }
0x90: {  	s2 =	sld [smem:$0x3FD0];
	_ =	sdelay $0x2  }
0x91: {  	s15 =	simm.s32 $0xA;
	s4 =	simm.s32 $0x10  }
0x92: {  	[smem:s4], [sflag:s15] =	dma.local [hbm:s2], $0x1  }
0x93: {  	_ =	swait.eq [sflag:s15], $0x1  }
0x94: {  	[sflag:s15] =	ssyncset.done $0x0  }
0x95: {  	[sflag:s15] =	ssyncadd.s32 $0xFFFFFFFF  }
0x96: {  	s16 =	sld [smem:$0x12];
	(tm) =	ssettm $0x1  }
0x97: {  	s17 =	sld [smem:$0x3FFB];
	_ =	sdelay $0x3  }
0x98: {  	_ =	strace s17  }
0x99: {  	s3 =	sld [smem:$0x3FFC];
	_ =	sdelay $0x3  }
0x9a: {  	_ =	strace s3  }
0x9b: {  	s3 =	sld [smem:$0x3FFD];
	_ =	sdelay $0x3  }
0x9c: {  	_ =	strace s3  }
0x9d: {  	_ =	strace $0x8FFFFFFF  }
0x9e: {  	s18 =	sld [smem:$0x3FDB];
	_ =	sdelay $0x1  }
0x9f: {  	s19 =	simm.s32 $_scs_section_size  }
0xa0: {  	s5 =	simm.s32 $_size__tile_overlayer_lowered;
	s6 =	simm.s32 $_tile_overlayer_lowered  }
0xa1: {  	s22 =	simm.s32 $0x1BFF;
	s21 =	sshll.u32 s6, $0x1;
	s3 =	sadd.s32 s19, s18  }
0xa2: {  	s7 =	simm.s32 $0x0;
	s20 =	sshll.u32 s5, $0x1;
	s5 =	sadd.s32 s21, s3  }
0xa3: {  	[timem:s7], [sflag:s22] =	dma.local [hbm:s5], s20  }
0xa4: {  	_ =	swait.ge [sflag:s22], s20  }
0xa5: {  	s4 =	ssub.s32 $0x0, s20;
	[sflag:s22] =	ssyncset.done $0x0  }
0xa6: {  	[sflag:s22] =	ssyncadd.s32 s4;
	_ =	sdelay $0x1  }
0xa7: {  	s23 =	simm.s32 $0x1B8B  }
0xa8: {  	_ =	swait.ge [sflag:s23], $0x1  }
0xa9: {  	[sflag:s23] =	ssyncset.done $0x0  }
0xaa: {  	s25 =	simm.s32 $0x1B8E;
	s24 =	sld [smem:$0x3FFE];
	[sflag:s23] =	ssyncadd.s32 $0xFFFFFFFF  }
0xab: {  	s26 =	simm.s32 $execute0_lowered;
	[smem:$0x3FD2] =	sst s25  }
0xac: {  	s5 =	sshll.u32 s26, $0x1;
	_ =	strace $0x80000046;
	[dreg:$0x1] =	wrdreg $0xFFFFFFFF  }
0xad: {  	s28 =	simm.s32 $_size_execute0_lowered;
	s3 =	sadd.s32 s3, s5;
	[dreg:$0x0] =	wrdreg $0x0  }
0xae: {  	s5 =	sshll.u32 s28, $0x1;
	[dreg:$0x2] =	wrdreg s3  }
0xaf: {  	[dreg:$0x3] =	wrdreg s5  }
0xb0: {  	[dreg:$0x4] =	wrdreg $0xC0  }
0xb1: {  	_ =	task [dreg:s7], $0x5FFFF  }
0xb2: {  	[dreg:$0x1] =	wrdreg $0xFFFFFFFF  }
0xb3: {  	[dreg:$0x0] =	wrdreg $0x60  }
0xb4: {  	[dreg:$0x2] =	wrdreg s24  }
0xb5: {  	[dreg:$0x3] =	wrdreg s16  }
0xb6: {  	[dreg:$0x4] =	wrdreg $0x9  }
0xb7: {  	_ =	task.clear_ibuf [dreg:s7], $0x5FFFF;
	_ =	strace $0x90000046  }
0xb8: {  	s29 =	simm.s32 $0x9;
	_ =	strace $0x80000048  }
0xb9: {  	_ =	swait.ge [sflag:s29], $0x1  }
0xba: {  	[sflag:s29] =	ssyncadd.s32 $0xFFFFFFFF  }
0xbb: {  	_ =	strace $0x90000048  }
0xbc: {  	_ =	sfence  }
0xbd: {  	s30 =	sld [smem:$0x0];
	_ =	sdelay $0x2  }
0xbe: {  	s31 =	sshll.u32 s1, $0xD;
	s1 =	sshrl.u32 s1, $0x2  }
0xbf: {  	s3 =	sand.u32 $0x4000, s31;
	s1 =	sadd.s32 s1, s30  }
0xc0: {  	s0 =	sor.u32 s3, s0;
	s1 =	sshll.u32 s1, $0x11  }
0xc1: {  	s0 =	sor.u32 s1, s0  }
0xc2: {  	s0 =	sadd.s32 $0x8F2B, s0  }
0xc3: {  	[sflag:s0] =	ssyncadd.remote.s32 $0x1  }
0xc4: {  	_ =	sfence.sel $0xFFFF  }
0xc5: {  	[dreg:$0x0] =	wrdreg $0xFFFFFFFF;
	(pc) =	sbr.abs _section_cstart, $3  }
0xc6: {  	[dreg:$0x1] =	wrdreg $0xFFFFFFFF  }
0xc7: {  	_ =	task.clear_ibuf [dreg:s7], $0x2FFFF;
	_ =	strace $0x9FFFFFFF  }
0xc8: {  	(tm) =	ssettm $0x7FFFFFFF  }
0xc9: {  	_ =	shalt  }
tec
execute0_lowered:
.L_overlay_start_1:
0x0: {  	(tag) =	ssettag $0x1  }
0x1: {  	s1 =	srdreg.scid  }
0x2: {  	s8 =	rddreg [dreg:$0x0];
	s0 =	stileid.u32  }
0x3: {  	s3 =	rddreg [dreg:$0x1];
	s2 =	simm.s32 $0x0;
	s6 =	sand.u32 $0x1, s1  }
0x4: {  	s4 =	sshll.u32 s0, $0x9;
	s1 =	rddreg [dreg:$0x2];
	s5 =	sshll.u32 s6, $0x8  }
0x5: {  	s7 =	simm.s32 $0x1;
	[smem:$0x7FF] =	sst s2;
	s9 =	sor.u32 s5, s4  }
0x6: {  	_ =	strace $0x80000047;
	s10 =	ssub.s32 $0x2, s6;
	s4 =	sshrl.u32 s9, $0x3  }
0x7: {  	s6 =	simm.s32 $0x100;
	s4 =	sadd.s32 s3, s4;
	s3 =	simm.s32 $0x2  }
0x8: {  	[tilespmem:s2], [sflag:$0x2] =	stream.linear.gather [hbm4b:s4+s2], $0x100, $0x38;
	[tilespmem:$0x8100] =	vst v63  }
0x9: {  	s5 =	sadd.s32 $0x600, s8;
	s11 =	sshrl.u32 s10, $0x1;
	_ =	swait.ge [sflag:s3], $0x100  }
0xa: {  	s9 =	sshll.u32 s9, $0x4;
	s31 =	ssub.s32 s10, s11;
	[sflag:s3] =	ssyncset.done $0x0  }
0xb: {  	s8 =	sadd.s32 s9, s8;
	s9 =	smax.u32 s31, $0x1;
	[sflag:s3] =	ssyncadd.s32 $0xFFFFFF00  }
0xc: {  	[tilespmem:s6], [sflag:$0x1] =	stream.indirect.gather [hbm4b:s5+s6], $0x80, s2, s6, $0xb8;
	[tilespmem:$0x8100] =	vst v63  }
0xd: {  	p0 =	sne.s32 s9, $0x1;
	_ =	swait.ge [sflag:s7], $0x8000  }
.Ltmp0:
0xe: {  	[sflag:s7] =	ssyncset.done $0x0;
	(pc) =	sbr.rel @!p0 .LBB2_2-.Ltmp0, $4  }
0xf: {  	s8 =	sadd.s32 $0x20600, s8;
	[sflag:s7] =	ssyncadd.s32 $0xFFFF8000  }
0x10: {  	[hbm4b:s8+s2] =	stream.linear.scatter [tilespmem:s6], [sflag:$0x2], $0x8000, $0x38;
	[tilespmem:$0x8100] =	vst v63  }
0x11: {  	_ =	swait.ge [sflag:s3], $0x8000  }
0x12: {  	s9 =	sadd.s32 $0xFFFFFFFF, s9;
	[sflag:s3] =	ssyncset.done $0x0  }
.LBB2_1:
0x13: {  	p0 =	sne.s32 s9, $0x1;
	s9 =	sadd.s32 $0xFFFFFFFF, s9;
	[sflag:s3] =	ssyncadd.s32 $0xFFFF8000  }
0x14: {  	[tilespmem:s2], [sflag:$0x2] =	stream.linear.gather [hbm4b:s4+s2], $0x100, $0x38;
	[tilespmem:$0x8100] =	vst v63  }
0x15: {  	_ =	swait.ge [sflag:s3], $0x100  }
0x16: {  	[sflag:s3] =	ssyncset.done $0x0  }
0x17: {  	[sflag:s3] =	ssyncadd.s32 $0xFFFFFF00  }
0x18: {  	[tilespmem:s6], [sflag:$0x1] =	stream.indirect.gather [hbm4b:s5+s6], $0x80, s2, s6, $0xb8;
	[tilespmem:$0x8100] =	vst v63  }
0x19: {  	_ =	swait.ge [sflag:s7], $0x8000  }
.Ltmp1:
0x1a: {  	[sflag:s7] =	ssyncset.done $0x0;
	(pc) =	sbr.rel @p0 .LBB2_1-.Ltmp1, $4  }
0x1b: {  	[sflag:s7] =	ssyncadd.s32 $0xFFFF8000  }
0x1c: {  	[hbm4b:s8+s2] =	stream.linear.scatter [tilespmem:s6], [sflag:$0x2], $0x8000, $0x38;
	[tilespmem:$0x8100] =	vst v63  }
0x1d: {  	_ =	swait.ge [sflag:s3], $0x8000  }
0x1e: {  	[sflag:s3] =	ssyncset.done $0x0  }
.LBB2_2:
0x1f: {  	[sflag:s3] =	ssyncadd.s32 $0xFFFF8000  }
0x20: {  	_ =	sfence.sel $0x180000  }
0x21: {  	[bflag:$0x0] =	sbarrier.arrive $0xFFFF  }
0x22: {  	p0 =	sne.s32 s0, $0x0;
	_ =	strace $0x90000047  }
0x23: {  	s0 =	sadd.s32 @!p0 $0x100000, s1;
	[bflag:$0x2] =	sbarrier.arrive $0xFFFF  }
0x24: {  	[sflag:s0] =	ssyncadd.tile.s32 @!p0 $0x1;
	_ =	shalt  }
.Lfunc_end2:
_tile_overlayer_lowered:
.L_overlay_start_2:
0x25: {  	(tag) =	ssettag $0x2  }
0x26: {  	s0 =	rddreg [dreg:$0x0];
	s2 =	stileid.u32  }
0x27: {  	s1 =	rddreg [dreg:$0x1];
	p0 =	sne.s32 s2, $0x0  }
0x28: {  	s3 =	rddreg [dreg:$0x2];
	[bflag:$0x3] =	sbarrier.arrive $0xFFFF;
	s2 =	simm.s32 @!p0 $0x1C02  }
0x29: {  	[timem:s3], [sflag:s2] =	dma.local @!p0 [hbm:s0], s1  }
0x2a: {  	s0 =	simm.s32 @!p0 $0x2  }
0x2b: {  	_ =	swait.ge @!p0 [sflag:s0], s1  }
0x2c: {  	s1 =	ssub.s32 @!p0 $0x0, s1;
	[sflag:s0] =	ssyncset.done @!p0 $0x0  }
0x2d: {  	[sflag:s0] =	ssyncadd.s32 @!p0 s1  }
0x2e: {  	[bflag:$0x3] =	sbarrier.arrive $0xFFFF  }
0x2f: {  	_ =	shalt  }

</sc_bundles>
